<compile_context>
chip_gen: v7x
topology: tpu7x:2x2x1
jax: 0.10.2.dev20260603
libtpu: 0.0.44.dev20260713+nightly
codegen_flags: <defaults>
</compile_context>

<pallas_src>
import functools

import jax
import jax.numpy as jnp
from jax import lax
from jax.experimental import pallas as pl
from jax.experimental.pallas import tpu as pltpu
from jax.experimental.pallas import tpu_sc as plsc

EMBED = 64
TPAD = 128
EPS = 1e-5
NC = 2
NS = 16
NW = NC * NS
CHUNK = 128
NG = EMBED // 16
NEWTON = 1

_GATHER_DNUMS = lax.GatherDimensionNumbers(
    offset_dims=(), collapsed_slice_dims=(0,), start_index_map=(0,))


def _vperm(x, idx2d):
    return lax.gather(x, idx2d, _GATHER_DNUMS, (1,),
                      mode=lax.GatherScatterMode.PROMISE_IN_BOUNDS)


def _allsum16(x, perms):
    for p in perms:
        x = x + _vperm(x, p)
    return x


def _rsqrt16(x):
    i = lax.bitcast_convert_type(x, jnp.int32)
    y = lax.bitcast_convert_type(jnp.int32(0x5F3759DF) - (i >> 1), jnp.float32)
    for _ in range(NEWTON):
        y = y * (1.5 - 0.5 * x * y * y)
    return y


@functools.partial(jax.jit, static_argnames=("n_rows",))
def _run(idx, table, w, b, n_rows):
    per_w = n_rows // NW
    n_chunks = per_w // CHUNK

    mesh = plsc.VectorSubcoreMesh(core_axis_name="c", subcore_axis_name="s")

    @functools.partial(
        pl.kernel,
        mesh=mesh,
        out_type=jax.ShapeDtypeStruct((n_rows, EMBED), jnp.float32),
        scratch_types=[
            pltpu.VMEM((per_w,), jnp.int32),
            pltpu.VMEM((CHUNK, TPAD), jnp.float32),
            pltpu.VMEM((CHUNK, TPAD), jnp.float32),
            pltpu.VMEM((CHUNK, EMBED), jnp.float32),
            pltpu.VMEM((CHUNK, EMBED), jnp.float32),
            pltpu.VMEM((EMBED,), jnp.float32),
            pltpu.VMEM((EMBED,), jnp.float32),
            pltpu.SemaphoreType.DMA,
            pltpu.SemaphoreType.DMA,
            pltpu.SemaphoreType.DMA,
            pltpu.SemaphoreType.DMA,
        ],
    )
    def k(idx_hbm, table_hbm, w_hbm, b_hbm, out_hbm,
          idxf, rows0, rows1, outb0, outb1, wb, bb,
          gsem0, gsem1, ssem0, ssem1):
        wid = lax.axis_index("s") * NC + lax.axis_index("c")
        pltpu.sync_copy(w_hbm, wb)
        pltpu.sync_copy(b_hbm, bb)
        wv = [wb[pl.ds(g * 16, 16)] for g in range(NG)]
        bv = [bb[pl.ds(g * 16, 16)] for g in range(NG)]
        lane = lax.iota(jnp.int32, 16)
        perms = [jnp.reshape(lane ^ k, (16, 1)) for k in (1, 2, 4, 8)]
        base = wid * per_w
        bufs = ((rows0, outb0, gsem0, ssem0), (rows1, outb1, gsem1, ssem1))

        pltpu.sync_copy(idx_hbm.at[pl.ds(base, per_w)], idxf)

        def gather_start(j, rows, gsem):
            pltpu.async_copy(
                table_hbm.at[idxf.at[pl.ds(j * CHUNK, CHUNK)]], rows, gsem)

        def gather_wait(rows, gsem):
            pltpu.make_async_copy(
                table_hbm.at[idxf.at[pl.ds(0, CHUNK)]], rows, gsem).wait()

        def store_start(j, outb, ssem):
            pltpu.async_copy(
                outb, out_hbm.at[pl.ds(base + j * CHUNK, CHUNK)], ssem)

        def store_wait(outb, ssem):
            pltpu.make_async_copy(
                outb, out_hbm.at[pl.ds(base, CHUNK)], ssem).wait()

        def compute_chunk(rows, outb):
            def row_body(r, c2):
                x = [rows[r, pl.ds(g * 16, 16)] for g in range(NG)]
                s = (x[0] + x[1]) + (x[2] + x[3])
                q = (x[0] * x[0] + x[1] * x[1]) + (x[2] * x[2] + x[3] * x[3])
                mv = _allsum16(s, perms) * (1.0 / EMBED)
                ex2 = _allsum16(q, perms) * (1.0 / EMBED)
                var = jnp.maximum(ex2 - mv * mv, 0.0)
                rstd = _rsqrt16(var + EPS)
                for g in range(NG):
                    outb[r, pl.ds(g * 16, 16)] = (x[g] - mv) * (rstd * wv[g]) + bv[g]
                return c2

            lax.fori_loop(0, CHUNK, row_body, 0)

        gather_start(0, rows0, gsem0)
        gather_start(1, rows1, gsem1)

        def pair_body(jj, carry):
            for bno, (rows, outb, gsem, ssem) in enumerate(bufs):
                j = jj * 2 + bno
                gather_wait(rows, gsem)

                @pl.when(jj > 0)
                def _():
                    store_wait(outb, ssem)

                compute_chunk(rows, outb)
                store_start(j, outb, ssem)

                @pl.when(j + 2 < n_chunks)
                def _():
                    gather_start(j + 2, rows, gsem)
            return carry

        lax.fori_loop(0, n_chunks // 2, pair_body, 0)
        store_wait(outb0, ssem0)
        store_wait(outb1, ssem1)

    return k(idx, table, w, b)


def kernel(cell_index, cl_feat, ln_weight, ln_bias):
    B, L = cell_index.shape
    n_rows = B * L
    idx = cell_index.reshape(n_rows)
    table = jnp.pad(cl_feat, ((0, 0), (0, TPAD - EMBED)))
    out = _run(idx, table, ln_weight, ln_bias, n_rows)
    return out.reshape(B, L, EMBED)

# --- scband reference (transcript-rebuilt; emitter-appended) ---
"""Pipeline reference for scband-cell-embed-35734127903525 (READ-ONLY COPY).

The authoritative reference and input builder live on the scoring server;
editing this copy changes nothing except your own understanding.
"""

import jax, jax.numpy as jnp
import numpy as np

NUM_CELLS = 100000
EMBED_DIM = 64
EPS = 1e-5

def setup_inputs(seed: int = 0) -> dict:
    key = jax.random.key(seed)
    cell_index = jax.random.randint(jax.random.fold_in(key, 0), (4096, 200), 0, NUM_CELLS)
    # cl_feat is a fixed identity-style feature matrix: np.eye(shape[-1], embed_dim)
    cl_feat = jnp.eye(NUM_CELLS, EMBED_DIM, dtype=jnp.float32)
    # LayerNorm learnable params (default elementwise affine)
    ln_weight = jnp.ones((EMBED_DIM,), dtype=jnp.float32)
    ln_bias = jnp.zeros((EMBED_DIM,), dtype=jnp.float32)
    return {"cell_index": cell_index, "cl_feat": cl_feat, "ln_weight": ln_weight, "ln_bias": ln_bias}

def reference(cell_index, cl_feat, ln_weight, ln_bias):
    # embedding lookup: cl_feat[cell_index] -> [B, L, embed_dim]
    x = jnp.take(cl_feat, cell_index, axis=0)
    # LayerNorm over last dim (biased variance, matching torch.nn.LayerNorm)
    mean = jnp.mean(x, axis=-1, keepdims=True)
    var = jnp.mean(jnp.square(x - mean), axis=-1, keepdims=True)
    x_norm = (x - mean) / jnp.sqrt(var + EPS)
    return x_norm * ln_weight + ln_bias

if __name__ == "__main__":
    import jax
    _d = setup_inputs()
    print(jax.jit(kernel)(*tuple(_d.values())))

</pallas_src>

<mosaic_0001>
#map = affine_map<(d0, d1) -> (0)>
#map1 = affine_map<(d0, d1) -> (0, 0)>
module attributes {stable_mosaic.version = 14 : i64} {
  func.func @k(%arg0: i32, %arg1: i32, %arg2: memref<819200xi32, #tpu.memory_space<hbm>>, %arg3: memref<100000x128xf32, #tpu.memory_space<hbm>>, %arg4: memref<64xf32, #tpu.memory_space<hbm>>, %arg5: memref<64xf32, #tpu.memory_space<hbm>>, %arg6: memref<819200x64xf32, #tpu.memory_space<hbm>>, %arg7: memref<25600xi32, #tpu.memory_space<vmem>>, %arg8: memref<128x128xf32, #tpu.memory_space<vmem>>, %arg9: memref<128x128xf32, #tpu.memory_space<vmem>>, %arg10: memref<128x64xf32, #tpu.memory_space<vmem>>, %arg11: memref<128x64xf32, #tpu.memory_space<vmem>>, %arg12: memref<64xf32, #tpu.memory_space<vmem>>, %arg13: memref<64xf32, #tpu.memory_space<vmem>>, %arg14: memref<!tpu.dma_semaphore, #tpu.memory_space<semaphore_mem>>, %arg15: memref<!tpu.dma_semaphore, #tpu.memory_space<semaphore_mem>>, %arg16: memref<!tpu.dma_semaphore, #tpu.memory_space<semaphore_mem>>, %arg17: memref<!tpu.dma_semaphore, #tpu.memory_space<semaphore_mem>>) attributes {dimension_semantics = [#tpu.dimension_semantics<core_parallel>, #tpu.dimension_semantics<subcore_parallel>], iteration_bounds = array<i64: 2, 16>, scalar_prefetch = 0 : i64, scratch_operands = 11 : i64, tpu.core_type = #tpu.core_type<sc_vector_subcore>, window_params = [{transform_indices = #map}, {transform_indices = #map1}, {transform_indices = #map}, {transform_indices = #map}, {transform_indices = #map1}]} {
    %mul3A = arith.constant 2 : i32
    %mul3A_0 = arith.muli %arg1, %mul3A : i32
    %add3A = arith.addi %mul3A_0, %arg0 : i32
    "tpu.region"() ({
      %run_scoped3A = tpu.sem_alloc : memref<!tpu.dma_semaphore, #tpu.memory_space<semaphore_mem>>
      tpu.enqueue_dma source(%arg4 : memref<64xf32, #tpu.memory_space<hbm>>) target(%arg12 : memref<64xf32, #tpu.memory_space<vmem>>) target_semaphore(%run_scoped3A : memref<!tpu.dma_semaphore, #tpu.memory_space<semaphore_mem>>)
      tpu.wait_dma2 semaphore(%run_scoped3A : memref<!tpu.dma_semaphore, #tpu.memory_space<semaphore_mem>>) src(%arg4 : memref<64xf32, #tpu.memory_space<hbm>>) dst(%arg12 : memref<64xf32, #tpu.memory_space<vmem>>)
      tpu.yield
    }) : () -> ()
    "tpu.region"() ({
      %run_scoped3A = tpu.sem_alloc : memref<!tpu.dma_semaphore, #tpu.memory_space<semaphore_mem>>
      tpu.enqueue_dma source(%arg5 : memref<64xf32, #tpu.memory_space<hbm>>) target(%arg13 : memref<64xf32, #tpu.memory_space<vmem>>) target_semaphore(%run_scoped3A : memref<!tpu.dma_semaphore, #tpu.memory_space<semaphore_mem>>)
      tpu.wait_dma2 semaphore(%run_scoped3A : memref<!tpu.dma_semaphore, #tpu.memory_space<semaphore_mem>>) src(%arg5 : memref<64xf32, #tpu.memory_space<hbm>>) dst(%arg13 : memref<64xf32, #tpu.memory_space<vmem>>)
      tpu.yield
    }) : () -> ()
    %get3A = arith.constant 0 : index
    %get3A_1 = tpu.vector_load %arg12[%get3A] {strides = array<i32>} : memref<64xf32, #tpu.memory_space<vmem>>, vector<16xf32>,
    %get3A_2 = vector.shape_cast %get3A_1 : vector<16xf32> to vector<16xf32>
    %get3A_3 = arith.constant 16 : index
    %get3A_4 = tpu.vector_load %arg12[%get3A_3] {strides = array<i32>} : memref<64xf32, #tpu.memory_space<vmem>>, vector<16xf32>,
    %get3A_5 = vector.shape_cast %get3A_4 : vector<16xf32> to vector<16xf32>
    %get3A_6 = arith.constant 32 : index
    %get3A_7 = tpu.vector_load %arg12[%get3A_6] {strides = array<i32>} : memref<64xf32, #tpu.memory_space<vmem>>, vector<16xf32>,
    %get3A_8 = vector.shape_cast %get3A_7 : vector<16xf32> to vector<16xf32>
    %get3A_9 = arith.constant 48 : index
    %get3A_10 = tpu.vector_load %arg12[%get3A_9] {strides = array<i32>} : memref<64xf32, #tpu.memory_space<vmem>>, vector<16xf32>,
    %get3A_11 = vector.shape_cast %get3A_10 : vector<16xf32> to vector<16xf32>
    %get3A_12 = arith.constant 0 : index
    %get3A_13 = tpu.vector_load %arg13[%get3A_12] {strides = array<i32>} : memref<64xf32, #tpu.memory_space<vmem>>, vector<16xf32>,
    %get3A_14 = vector.shape_cast %get3A_13 : vector<16xf32> to vector<16xf32>
    %get3A_15 = arith.constant 16 : index
    %get3A_16 = tpu.vector_load %arg13[%get3A_15] {strides = array<i32>} : memref<64xf32, #tpu.memory_space<vmem>>, vector<16xf32>,
    %get3A_17 = vector.shape_cast %get3A_16 : vector<16xf32> to vector<16xf32>
    %get3A_18 = arith.constant 32 : index
    %get3A_19 = tpu.vector_load %arg13[%get3A_18] {strides = array<i32>} : memref<64xf32, #tpu.memory_space<vmem>>, vector<16xf32>,
    %get3A_20 = vector.shape_cast %get3A_19 : vector<16xf32> to vector<16xf32>
    %get3A_21 = arith.constant 48 : index
    %get3A_22 = tpu.vector_load %arg13[%get3A_21] {strides = array<i32>} : memref<64xf32, #tpu.memory_space<vmem>>, vector<16xf32>,
    %get3A_23 = vector.shape_cast %get3A_22 : vector<16xf32> to vector<16xf32>
    %iota3A = tpu.iota {dimensions = array<i32: 0>} : vector<16xi32>
    %xor3A = arith.constant 1 : i32
    %xor3A_24 = vector.broadcast %xor3A : i32 to vector<16xi32>
    %xor3A_25 = arith.xori %iota3A, %xor3A_24 : vector<16xi32>
    %reshape3A = vector.shape_cast %xor3A_25 : vector<16xi32> to vector<16x1xi32>
    %xor3A_26 = arith.constant 2 : i32
    %xor3A_27 = vector.broadcast %xor3A_26 : i32 to vector<16xi32>
    %xor3A_28 = arith.xori %iota3A, %xor3A_27 : vector<16xi32>
    %reshape3A_29 = vector.shape_cast %xor3A_28 : vector<16xi32> to vector<16x1xi32>
    %xor3A_30 = arith.constant 4 : i32
    %xor3A_31 = vector.broadcast %xor3A_30 : i32 to vector<16xi32>
    %xor3A_32 = arith.xori %iota3A, %xor3A_31 : vector<16xi32>
    %reshape3A_33 = vector.shape_cast %xor3A_32 : vector<16xi32> to vector<16x1xi32>
    %xor3A_34 = arith.constant 8 : i32
    %xor3A_35 = vector.broadcast %xor3A_34 : i32 to vector<16xi32>
    %xor3A_36 = arith.xori %iota3A, %xor3A_35 : vector<16xi32>
    %reshape3A_37 = vector.shape_cast %xor3A_36 : vector<16xi32> to vector<16x1xi32>
    %mul3A_38 = arith.constant 25600 : i32
    %mul3A_39 = arith.muli %add3A, %mul3A_38 : i32
    "tpu.region"() ({
      %run_scoped3A = tpu.sem_alloc : memref<!tpu.dma_semaphore, #tpu.memory_space<semaphore_mem>>
      %dma_start3A_61 = tpu.memref_slice %arg2[%mul3A_39] : memref<819200xi32, #tpu.memory_space<hbm>> -> memref<25600xi32, #tpu.memory_space<hbm>>
      %dma_start3A_62 = tpu.memref_slice %arg2[%mul3A_39] : memref<819200xi32, #tpu.memory_space<hbm>> -> memref<25600xi32, #tpu.memory_space<hbm>>
      tpu.enqueue_dma source(%dma_start3A_62 : memref<25600xi32, #tpu.memory_space<hbm>>) target(%arg7 : memref<25600xi32, #tpu.memory_space<vmem>>) target_semaphore(%run_scoped3A : memref<!tpu.dma_semaphore, #tpu.memory_space<semaphore_mem>>)
      %dma_wait3A_63 = tpu.memref_slice %arg2[%mul3A_39] : memref<819200xi32, #tpu.memory_space<hbm>> -> memref<25600xi32, #tpu.memory_space<hbm>>
      %dma_wait3A_64 = tpu.memref_slice %arg2[%mul3A_39] : memref<819200xi32, #tpu.memory_space<hbm>> -> memref<25600xi32, #tpu.memory_space<hbm>>
      tpu.wait_dma2 semaphore(%run_scoped3A : memref<!tpu.dma_semaphore, #tpu.memory_space<semaphore_mem>>) src(%dma_wait3A_64 : memref<25600xi32, #tpu.memory_space<hbm>>) dst(%arg7 : memref<25600xi32, #tpu.memory_space<vmem>>)
      tpu.yield
    }) : () -> ()
    %dma_start3A = arith.constant 0 : i32
    %dma_start3A_40 = tpu.memref_slice %arg7[%dma_start3A] : memref<25600xi32, #tpu.memory_space<vmem>> -> memref<128xi32, #tpu.memory_space<vmem>>
    %dma_start3A_41 = arith.constant 0 : i32
    %dma_start3A_42 = arith.constant 0 : i32
    %dma_start3A_43 = tpu.memref_slice %arg3[%dma_start3A_41, %dma_start3A_42] : memref<100000x128xf32, #tpu.memory_space<hbm>> -> memref<100000x128xf32, #tpu.memory_space<hbm>>
    tpu.enqueue_indirect_dma source(%dma_start3A_43 : memref<100000x128xf32, #tpu.memory_space<hbm>>) target(%arg8 : memref<128x128xf32, #tpu.memory_space<vmem>>) offsets(%dma_start3A_40 : memref<128xi32, #tpu.memory_space<vmem>>) semaphore(%arg14 : memref<!tpu.dma_semaphore, #tpu.memory_space<semaphore_mem>>)
    %dma_start3A_44 = arith.constant 128 : i32
    %dma_start3A_45 = tpu.memref_slice %arg7[%dma_start3A_44] : memref<25600xi32, #tpu.memory_space<vmem>> -> memref<128xi32, #tpu.memory_space<vmem>>
    %dma_start3A_46 = arith.constant 0 : i32
    %dma_start3A_47 = arith.constant 0 : i32
    %dma_start3A_48 = tpu.memref_slice %arg3[%dma_start3A_46, %dma_start3A_47] : memref<100000x128xf32, #tpu.memory_space<hbm>> -> memref<100000x128xf32, #tpu.memory_space<hbm>>
    tpu.enqueue_indirect_dma source(%dma_start3A_48 : memref<100000x128xf32, #tpu.memory_space<hbm>>) target(%arg9 : memref<128x128xf32, #tpu.memory_space<vmem>>) offsets(%dma_start3A_45 : memref<128xi32, #tpu.memory_space<vmem>>) semaphore(%arg15 : memref<!tpu.dma_semaphore, #tpu.memory_space<semaphore_mem>>)
    %scan3A = arith.constant 0 : i32
    %scan3A_49 = arith.constant 0 : i32
    %scan3A_50 = arith.constant 100 : i32
    %scan3A_51 = arith.addi %scan3A_49, %scan3A_50 : i32
    %scan3A_52 = arith.constant 1 : i32
    scf.for %scan3A_61 = %scan3A_49 to %scan3A_51 step %scan3A_52  : i32 {
      %mul3A_62 = arith.constant 2 : i32
      %mul3A_63 = arith.muli %scan3A_61, %mul3A_62 : i32
      %add3A_64 = arith.constant 0 : i32
      %add3A_65 = arith.addi %mul3A_63, %add3A_64 : i32
      %dma_wait3A_66 = arith.constant 0 : i32
      %dma_wait3A_67 = tpu.memref_slice %arg7[%dma_wait3A_66] : memref<25600xi32, #tpu.memory_space<vmem>> -> memref<128xi32, #tpu.memory_space<vmem>>
      %dma_wait3A_68 = arith.constant 0 : i32
      %dma_wait3A_69 = arith.constant 0 : i32
      %dma_wait3A_70 = tpu.memref_slice %arg3[%dma_wait3A_68, %dma_wait3A_69] : memref<100000x128xf32, #tpu.memory_space<hbm>> -> memref<100000x128xf32, #tpu.memory_space<hbm>>
      tpu.wait_indirect_dma semaphore(%arg14 : memref<!tpu.dma_semaphore, #tpu.memory_space<semaphore_mem>>) src(%dma_wait3A_70 : memref<100000x128xf32, #tpu.memory_space<hbm>>) dst(%arg8 : memref<128x128xf32, #tpu.memory_space<vmem>>)
      %gt3A = arith.constant 0 : i32
      %gt3A_71 = arith.cmpi sgt, %scan3A_61, %gt3A : i32
      %convert_element_type3A = arith.extui %gt3A_71 : i1 to i32
      %cond3A = arith.constant 0 : i32
      %cond3A_72 = arith.cmpi ne, %convert_element_type3A, %cond3A : i32
      scf.if %cond3A_72 {
        %dma_wait3A_126 = arith.constant 0 : i32
        %dma_wait3A_127 = tpu.memref_slice %arg6[%mul3A_39, %dma_wait3A_126] : memref<819200x64xf32, #tpu.memory_space<hbm>> -> memref<128x64xf32, #tpu.memory_space<hbm>>
        %dma_wait3A_128 = arith.constant 0 : i32
        %dma_wait3A_129 = tpu.memref_slice %arg6[%mul3A_39, %dma_wait3A_128] : memref<819200x64xf32, #tpu.memory_space<hbm>> -> memref<128x64xf32, #tpu.memory_space<hbm>>
        tpu.wait_dma2 semaphore(%arg16 : memref<!tpu.dma_semaphore, #tpu.memory_space<semaphore_mem>>) src(%arg10 : memref<128x64xf32, #tpu.memory_space<vmem>>) dst(%dma_wait3A_129 : memref<128x64xf32, #tpu.memory_space<hbm>>)
      } else {
      }
      %scan3A_73 = arith.constant 0 : i32
      %scan3A_74 = arith.constant 0 : i32
      %scan3A_75 = arith.constant 128 : i32
      %scan3A_76 = arith.addi %scan3A_74, %scan3A_75 : i32
      %scan3A_77 = arith.constant 1 : i32
      scf.for %scan3A_126 = %scan3A_74 to %scan3A_76 step %scan3A_77  : i32 {
        %get3A_127 = arith.index_cast %scan3A_126 : i32 to index
        %get3A_128 = arith.constant 0 : index
        %get3A_129 = tpu.vector_load %arg8[%get3A_127, %get3A_128] {strides = array<i32>} : memref<128x128xf32, #tpu.memory_space<vmem>>, vector<1x16xf32>,
        %get3A_130 = vector.shape_cast %get3A_129 : vector<1x16xf32> to vector<16xf32>
        %get3A_131 = arith.index_cast %scan3A_126 : i32 to index
        %get3A_132 = arith.constant 16 : index
        %get3A_133 = tpu.vector_load %arg8[%get3A_131, %get3A_132] {strides = array<i32>} : memref<128x128xf32, #tpu.memory_space<vmem>>, vector<1x16xf32>,
        %get3A_134 = vector.shape_cast %get3A_133 : vector<1x16xf32> to vector<16xf32>
        %get3A_135 = arith.index_cast %scan3A_126 : i32 to index
        %get3A_136 = arith.constant 32 : index
        %get3A_137 = tpu.vector_load %arg8[%get3A_135, %get3A_136] {strides = array<i32>} : memref<128x128xf32, #tpu.memory_space<vmem>>, vector<1x16xf32>,
        %get3A_138 = vector.shape_cast %get3A_137 : vector<1x16xf32> to vector<16xf32>
        %get3A_139 = arith.index_cast %scan3A_126 : i32 to index
        %get3A_140 = arith.constant 48 : index
        %get3A_141 = tpu.vector_load %arg8[%get3A_139, %get3A_140] {strides = array<i32>} : memref<128x128xf32, #tpu.memory_space<vmem>>, vector<1x16xf32>,
        %get3A_142 = vector.shape_cast %get3A_141 : vector<1x16xf32> to vector<16xf32>
        %add3A_143 = arith.addf %get3A_130, %get3A_134 : vector<16xf32>
        %add3A_144 = arith.addf %get3A_138, %get3A_142 : vector<16xf32>
        %add3A_145 = arith.addf %add3A_143, %add3A_144 : vector<16xf32>
        %mul3A_146 = arith.mulf %get3A_130, %get3A_130 : vector<16xf32>
        %mul3A_147 = arith.mulf %get3A_134, %get3A_134 : vector<16xf32>
        %add3A_148 = arith.addf %mul3A_146, %mul3A_147 : vector<16xf32>
        %mul3A_149 = arith.mulf %get3A_138, %get3A_138 : vector<16xf32>
        %mul3A_150 = arith.mulf %get3A_142, %get3A_142 : vector<16xf32>
        %add3A_151 = arith.addf %mul3A_149, %mul3A_150 : vector<16xf32>
        %add3A_152 = arith.addf %add3A_148, %add3A_151 : vector<16xf32>
        %gather3A = vector.shape_cast %reshape3A : vector<16x1xi32> to vector<16xi32>
        %gather3A_153 = tpu.dynamic_gather %add3A_145[%gather3A] in [0] : vector<16xf32>, vector<16xi32> -> vector<16xf32>
        %add3A_154 = arith.addf %add3A_145, %gather3A_153 : vector<16xf32>
        %gather3A_155 = vector.shape_cast %reshape3A_29 : vector<16x1xi32> to vector<16xi32>
        %gather3A_156 = tpu.dynamic_gather %add3A_154[%gather3A_155] in [0] : vector<16xf32>, vector<16xi32> -> vector<16xf32>
        %add3A_157 = arith.addf %add3A_154, %gather3A_156 : vector<16xf32>
        %gather3A_158 = vector.shape_cast %reshape3A_33 : vector<16x1xi32> to vector<16xi32>
        %gather3A_159 = tpu.dynamic_gather %add3A_157[%gather3A_158] in [0] : vector<16xf32>, vector<16xi32> -> vector<16xf32>
        %add3A_160 = arith.addf %add3A_157, %gather3A_159 : vector<16xf32>
        %gather3A_161 = vector.shape_cast %reshape3A_37 : vector<16x1xi32> to vector<16xi32>
        %gather3A_162 = tpu.dynamic_gather %add3A_160[%gather3A_161] in [0] : vector<16xf32>, vector<16xi32> -> vector<16xf32>
        %add3A_163 = arith.addf %add3A_160, %gather3A_162 : vector<16xf32>
        %mul3A_164 = arith.constant 1.562500e-02 : f32
        %mul3A_165 = vector.broadcast %mul3A_164 : f32 to vector<16xf32>
        %mul3A_166 = arith.mulf %add3A_163, %mul3A_165 : vector<16xf32>
        %gather3A_167 = vector.shape_cast %reshape3A : vector<16x1xi32> to vector<16xi32>
        %gather3A_168 = tpu.dynamic_gather %add3A_152[%gather3A_167] in [0] : vector<16xf32>, vector<16xi32> -> vector<16xf32>
        %add3A_169 = arith.addf %add3A_152, %gather3A_168 : vector<16xf32>
        %gather3A_170 = vector.shape_cast %reshape3A_29 : vector<16x1xi32> to vector<16xi32>
        %gather3A_171 = tpu.dynamic_gather %add3A_169[%gather3A_170] in [0] : vector<16xf32>, vector<16xi32> -> vector<16xf32>
        %add3A_172 = arith.addf %add3A_169, %gather3A_171 : vector<16xf32>
        %gather3A_173 = vector.shape_cast %reshape3A_33 : vector<16x1xi32> to vector<16xi32>
        %gather3A_174 = tpu.dynamic_gather %add3A_172[%gather3A_173] in [0] : vector<16xf32>, vector<16xi32> -> vector<16xf32>
        %add3A_175 = arith.addf %add3A_172, %gather3A_174 : vector<16xf32>
        %gather3A_176 = vector.shape_cast %reshape3A_37 : vector<16x1xi32> to vector<16xi32>
        %gather3A_177 = tpu.dynamic_gather %add3A_175[%gather3A_176] in [0] : vector<16xf32>, vector<16xi32> -> vector<16xf32>
        %add3A_178 = arith.addf %add3A_175, %gather3A_177 : vector<16xf32>
        %mul3A_179 = arith.constant 1.562500e-02 : f32
        %mul3A_180 = vector.broadcast %mul3A_179 : f32 to vector<16xf32>
        %mul3A_181 = arith.mulf %add3A_178, %mul3A_180 : vector<16xf32>
        %mul3A_182 = arith.mulf %mul3A_166, %mul3A_166 : vector<16xf32>
        %sub3A = arith.subf %mul3A_181, %mul3A_182 : vector<16xf32>
        %max3A = arith.constant 0.000000e+00 : f32
        %max3A_183 = vector.broadcast %max3A : f32 to vector<16xf32>
        %max3A_184 = arith.maximumf %sub3A, %max3A_183 : vector<16xf32>
        %add3A_185 = arith.constant 9.99999974E-6 : f32
        %add3A_186 = vector.broadcast %add3A_185 : f32 to vector<16xf32>
        %add3A_187 = arith.addf %max3A_184, %add3A_186 : vector<16xf32>
        %bitcast_convert_type3A = tpu.bitcast %add3A_187 : vector<16xf32> -> vector<16xi32>
        %shift_right_arithmetic3A = arith.constant 1 : i32
        %shift_right_arithmetic3A_188 = vector.broadcast %shift_right_arithmetic3A : i32 to vector<16xi32>
        %shift_right_arithmetic3A_189 = arith.shrsi %bitcast_convert_type3A, %shift_right_arithmetic3A_188 : vector<16xi32>
        %sub3A_190 = arith.constant 1597463007 : i32
        %sub3A_191 = vector.broadcast %sub3A_190 : i32 to vector<16xi32>
        %sub3A_192 = arith.subi %sub3A_191, %shift_right_arithmetic3A_189 : vector<16xi32>
        %bitcast_convert_type3A_193 = tpu.bitcast %sub3A_192 : vector<16xi32> -> vector<16xf32>
        %mul3A_194 = arith.constant 5.000000e-01 : f32
        %mul3A_195 = vector.broadcast %mul3A_194 : f32 to vector<16xf32>
        %mul3A_196 = arith.mulf %mul3A_195, %add3A_187 : vector<16xf32>
        %mul3A_197 = arith.mulf %mul3A_196, %bitcast_convert_type3A_193 : vector<16xf32>
        %mul3A_198 = arith.mulf %mul3A_197, %bitcast_convert_type3A_193 : vector<16xf32>
        %sub3A_199 = arith.constant 1.500000e+00 : f32
        %sub3A_200 = vector.broadcast %sub3A_199 : f32 to vector<16xf32>
        %sub3A_201 = arith.subf %sub3A_200, %mul3A_198 : vector<16xf32>
        %mul3A_202 = arith.mulf %bitcast_convert_type3A_193, %sub3A_201 : vector<16xf32>
        %sub3A_203 = arith.subf %get3A_130, %mul3A_166 : vector<16xf32>
        %mul3A_204 = arith.mulf %mul3A_202, %get3A_2 : vector<16xf32>
        %mul3A_205 = arith.mulf %sub3A_203, %mul3A_204 : vector<16xf32>
        %add3A_206 = arith.addf %mul3A_205, %get3A_14 : vector<16xf32>
        %swap3A = arith.index_cast %scan3A_126 : i32 to index
        %swap3A_207 = arith.constant 0 : index
        %swap3A_208 = tpu.vector_load %arg10[%swap3A, %swap3A_207] {strides = array<i32>} : memref<128x64xf32, #tpu.memory_space<vmem>>, vector<1x16xf32>,
        %swap3A_209 = vector.shape_cast %swap3A_208 : vector<1x16xf32> to vector<16xf32>
        %swap3A_210 = vector.shape_cast %add3A_206 : vector<16xf32> to vector<1x16xf32>
        tpu.vector_store %arg10[%swap3A, %swap3A_207], %swap3A_210 {strides = array<i32>} : memref<128x64xf32, #tpu.memory_space<vmem>>, vector<1x16xf32>,
        %sub3A_211 = arith.subf %get3A_134, %mul3A_166 : vector<16xf32>
        %mul3A_212 = arith.mulf %mul3A_202, %get3A_5 : vector<16xf32>
        %mul3A_213 = arith.mulf %sub3A_211, %mul3A_212 : vector<16xf32>
        %add3A_214 = arith.addf %mul3A_213, %get3A_17 : vector<16xf32>
        %swap3A_215 = arith.index_cast %scan3A_126 : i32 to index
        %swap3A_216 = arith.constant 16 : index
        %swap3A_217 = tpu.vector_load %arg10[%swap3A_215, %swap3A_216] {strides = array<i32>} : memref<128x64xf32, #tpu.memory_space<vmem>>, vector<1x16xf32>,
        %swap3A_218 = vector.shape_cast %swap3A_217 : vector<1x16xf32> to vector<16xf32>
        %swap3A_219 = vector.shape_cast %add3A_214 : vector<16xf32> to vector<1x16xf32>
        tpu.vector_store %arg10[%swap3A_215, %swap3A_216], %swap3A_219 {strides = array<i32>} : memref<128x64xf32, #tpu.memory_space<vmem>>, vector<1x16xf32>,
        %sub3A_220 = arith.subf %get3A_138, %mul3A_166 : vector<16xf32>
        %mul3A_221 = arith.mulf %mul3A_202, %get3A_8 : vector<16xf32>
        %mul3A_222 = arith.mulf %sub3A_220, %mul3A_221 : vector<16xf32>
        %add3A_223 = arith.addf %mul3A_222, %get3A_20 : vector<16xf32>
        %swap3A_224 = arith.index_cast %scan3A_126 : i32 to index
        %swap3A_225 = arith.constant 32 : index
        %swap3A_226 = tpu.vector_load %arg10[%swap3A_224, %swap3A_225] {strides = array<i32>} : memref<128x64xf32, #tpu.memory_space<vmem>>, vector<1x16xf32>,
        %swap3A_227 = vector.shape_cast %swap3A_226 : vector<1x16xf32> to vector<16xf32>
        %swap3A_228 = vector.shape_cast %add3A_223 : vector<16xf32> to vector<1x16xf32>
        tpu.vector_store %arg10[%swap3A_224, %swap3A_225], %swap3A_228 {strides = array<i32>} : memref<128x64xf32, #tpu.memory_space<vmem>>, vector<1x16xf32>,
        %sub3A_229 = arith.subf %get3A_142, %mul3A_166 : vector<16xf32>
        %mul3A_230 = arith.mulf %mul3A_202, %get3A_11 : vector<16xf32>
        %mul3A_231 = arith.mulf %sub3A_229, %mul3A_230 : vector<16xf32>
        %add3A_232 = arith.addf %mul3A_231, %get3A_23 : vector<16xf32>
        %swap3A_233 = arith.index_cast %scan3A_126 : i32 to index
        %swap3A_234 = arith.constant 48 : index
        %swap3A_235 = tpu.vector_load %arg10[%swap3A_233, %swap3A_234] {strides = array<i32>} : memref<128x64xf32, #tpu.memory_space<vmem>>, vector<1x16xf32>,
        %swap3A_236 = vector.shape_cast %swap3A_235 : vector<1x16xf32> to vector<16xf32>
        %swap3A_237 = vector.shape_cast %add3A_232 : vector<16xf32> to vector<1x16xf32>
        tpu.vector_store %arg10[%swap3A_233, %swap3A_234], %swap3A_237 {strides = array<i32>} : memref<128x64xf32, #tpu.memory_space<vmem>>, vector<1x16xf32>,
      }
      %scan3A_78 = arith.constant 128 : i32
      %mul3A_79 = arith.constant 128 : i32
      %mul3A_80 = arith.muli %add3A_65, %mul3A_79 : i32
      %add3A_81 = arith.addi %mul3A_39, %mul3A_80 : i32
      %dma_start3A_82 = arith.constant 0 : i32
      %dma_start3A_83 = tpu.memref_slice %arg6[%add3A_81, %dma_start3A_82] : memref<819200x64xf32, #tpu.memory_space<hbm>> -> memref<128x64xf32, #tpu.memory_space<hbm>>
      %dma_start3A_84 = arith.constant 0 : i32
      %dma_start3A_85 = tpu.memref_slice %arg6[%add3A_81, %dma_start3A_84] : memref<819200x64xf32, #tpu.memory_space<hbm>> -> memref<128x64xf32, #tpu.memory_space<hbm>>
      tpu.enqueue_dma source(%arg10 : memref<128x64xf32, #tpu.memory_space<vmem>>) target(%dma_start3A_85 : memref<128x64xf32, #tpu.memory_space<hbm>>) target_semaphore(%arg16 : memref<!tpu.dma_semaphore, #tpu.memory_space<semaphore_mem>>)
      %add3A_86 = arith.constant 2 : i32
      %add3A_87 = arith.addi %add3A_65, %add3A_86 : i32
      %lt3A = arith.constant 200 : i32
      %lt3A_88 = arith.cmpi slt, %add3A_87, %lt3A : i32
      %convert_element_type3A_89 = arith.extui %lt3A_88 : i1 to i32
      %cond3A_90 = arith.constant 0 : i32
      %cond3A_91 = arith.cmpi ne, %convert_element_type3A_89, %cond3A_90 : i32
      scf.if %cond3A_91 {
        %add3A_126 = arith.constant 2 : i32
        %add3A_127 = arith.addi %add3A_65, %add3A_126 : i32
        %mul3A_128 = arith.constant 128 : i32
        %mul3A_129 = arith.muli %add3A_127, %mul3A_128 : i32
        %dma_start3A_130 = tpu.memref_slice %arg7[%mul3A_129] : memref<25600xi32, #tpu.memory_space<vmem>> -> memref<128xi32, #tpu.memory_space<vmem>>
        %dma_start3A_131 = arith.constant 0 : i32
        %dma_start3A_132 = arith.constant 0 : i32
        %dma_start3A_133 = tpu.memref_slice %arg3[%dma_start3A_131, %dma_start3A_132] : memref<100000x128xf32, #tpu.memory_space<hbm>> -> memref<100000x128xf32, #tpu.memory_space<hbm>>
        tpu.enqueue_indirect_dma source(%dma_start3A_133 : memref<100000x128xf32, #tpu.memory_space<hbm>>) target(%arg8 : memref<128x128xf32, #tpu.memory_space<vmem>>) offsets(%dma_start3A_130 : memref<128xi32, #tpu.memory_space<vmem>>) semaphore(%arg14 : memref<!tpu.dma_semaphore, #tpu.memory_space<semaphore_mem>>)
      } else {
      }
      %mul3A_92 = arith.constant 2 : i32
      %mul3A_93 = arith.muli %scan3A_61, %mul3A_92 : i32
      %add3A_94 = arith.constant 1 : i32
      %add3A_95 = arith.addi %mul3A_93, %add3A_94 : i32
      %dma_wait3A_96 = arith.constant 0 : i32
      %dma_wait3A_97 = tpu.memref_slice %arg7[%dma_wait3A_96] : memref<25600xi32, #tpu.memory_space<vmem>> -> memref<128xi32, #tpu.memory_space<vmem>>
      %dma_wait3A_98 = arith.constant 0 : i32
      %dma_wait3A_99 = arith.constant 0 : i32
      %dma_wait3A_100 = tpu.memref_slice %arg3[%dma_wait3A_98, %dma_wait3A_99] : memref<100000x128xf32, #tpu.memory_space<hbm>> -> memref<100000x128xf32, #tpu.memory_space<hbm>>
      tpu.wait_indirect_dma semaphore(%arg15 : memref<!tpu.dma_semaphore, #tpu.memory_space<semaphore_mem>>) src(%dma_wait3A_100 : memref<100000x128xf32, #tpu.memory_space<hbm>>) dst(%arg9 : memref<128x128xf32, #tpu.memory_space<vmem>>)
      %gt3A_101 = arith.constant 0 : i32
      %gt3A_102 = arith.cmpi sgt, %scan3A_61, %gt3A_101 : i32
      %convert_element_type3A_103 = arith.extui %gt3A_102 : i1 to i32
      %cond3A_104 = arith.constant 0 : i32
      %cond3A_105 = arith.cmpi ne, %convert_element_type3A_103, %cond3A_104 : i32
      scf.if %cond3A_105 {
        %dma_wait3A_126 = arith.constant 0 : i32
        %dma_wait3A_127 = tpu.memref_slice %arg6[%mul3A_39, %dma_wait3A_126] : memref<819200x64xf32, #tpu.memory_space<hbm>> -> memref<128x64xf32, #tpu.memory_space<hbm>>
        %dma_wait3A_128 = arith.constant 0 : i32
        %dma_wait3A_129 = tpu.memref_slice %arg6[%mul3A_39, %dma_wait3A_128] : memref<819200x64xf32, #tpu.memory_space<hbm>> -> memref<128x64xf32, #tpu.memory_space<hbm>>
        tpu.wait_dma2 semaphore(%arg17 : memref<!tpu.dma_semaphore, #tpu.memory_space<semaphore_mem>>) src(%arg11 : memref<128x64xf32, #tpu.memory_space<vmem>>) dst(%dma_wait3A_129 : memref<128x64xf32, #tpu.memory_space<hbm>>)
      } else {
      }
      %scan3A_106 = arith.constant 0 : i32
      %scan3A_107 = arith.constant 0 : i32
      %scan3A_108 = arith.constant 128 : i32
      %scan3A_109 = arith.addi %scan3A_107, %scan3A_108 : i32
      %scan3A_110 = arith.constant 1 : i32
      scf.for %scan3A_126 = %scan3A_107 to %scan3A_109 step %scan3A_110  : i32 {
        %get3A_127 = arith.index_cast %scan3A_126 : i32 to index
        %get3A_128 = arith.constant 0 : index
        %get3A_129 = tpu.vector_load %arg9[%get3A_127, %get3A_128] {strides = array<i32>} : memref<128x128xf32, #tpu.memory_space<vmem>>, vector<1x16xf32>,
        %get3A_130 = vector.shape_cast %get3A_129 : vector<1x16xf32> to vector<16xf32>
        %get3A_131 = arith.index_cast %scan3A_126 : i32 to index
        %get3A_132 = arith.constant 16 : index
        %get3A_133 = tpu.vector_load %arg9[%get3A_131, %get3A_132] {strides = array<i32>} : memref<128x128xf32, #tpu.memory_space<vmem>>, vector<1x16xf32>,
        %get3A_134 = vector.shape_cast %get3A_133 : vector<1x16xf32> to vector<16xf32>
        %get3A_135 = arith.index_cast %scan3A_126 : i32 to index
        %get3A_136 = arith.constant 32 : index
        %get3A_137 = tpu.vector_load %arg9[%get3A_135, %get3A_136] {strides = array<i32>} : memref<128x128xf32, #tpu.memory_space<vmem>>, vector<1x16xf32>,
        %get3A_138 = vector.shape_cast %get3A_137 : vector<1x16xf32> to vector<16xf32>
        %get3A_139 = arith.index_cast %scan3A_126 : i32 to index
        %get3A_140 = arith.constant 48 : index
        %get3A_141 = tpu.vector_load %arg9[%get3A_139, %get3A_140] {strides = array<i32>} : memref<128x128xf32, #tpu.memory_space<vmem>>, vector<1x16xf32>,
        %get3A_142 = vector.shape_cast %get3A_141 : vector<1x16xf32> to vector<16xf32>
        %add3A_143 = arith.addf %get3A_130, %get3A_134 : vector<16xf32>
        %add3A_144 = arith.addf %get3A_138, %get3A_142 : vector<16xf32>
        %add3A_145 = arith.addf %add3A_143, %add3A_144 : vector<16xf32>
        %mul3A_146 = arith.mulf %get3A_130, %get3A_130 : vector<16xf32>
        %mul3A_147 = arith.mulf %get3A_134, %get3A_134 : vector<16xf32>
        %add3A_148 = arith.addf %mul3A_146, %mul3A_147 : vector<16xf32>
        %mul3A_149 = arith.mulf %get3A_138, %get3A_138 : vector<16xf32>
        %mul3A_150 = arith.mulf %get3A_142, %get3A_142 : vector<16xf32>
        %add3A_151 = arith.addf %mul3A_149, %mul3A_150 : vector<16xf32>
        %add3A_152 = arith.addf %add3A_148, %add3A_151 : vector<16xf32>
        %gather3A = vector.shape_cast %reshape3A : vector<16x1xi32> to vector<16xi32>
        %gather3A_153 = tpu.dynamic_gather %add3A_145[%gather3A] in [0] : vector<16xf32>, vector<16xi32> -> vector<16xf32>
        %add3A_154 = arith.addf %add3A_145, %gather3A_153 : vector<16xf32>
        %gather3A_155 = vector.shape_cast %reshape3A_29 : vector<16x1xi32> to vector<16xi32>
        %gather3A_156 = tpu.dynamic_gather %add3A_154[%gather3A_155] in [0] : vector<16xf32>, vector<16xi32> -> vector<16xf32>
        %add3A_157 = arith.addf %add3A_154, %gather3A_156 : vector<16xf32>
        %gather3A_158 = vector.shape_cast %reshape3A_33 : vector<16x1xi32> to vector<16xi32>
        %gather3A_159 = tpu.dynamic_gather %add3A_157[%gather3A_158] in [0] : vector<16xf32>, vector<16xi32> -> vector<16xf32>
        %add3A_160 = arith.addf %add3A_157, %gather3A_159 : vector<16xf32>
        %gather3A_161 = vector.shape_cast %reshape3A_37 : vector<16x1xi32> to vector<16xi32>
        %gather3A_162 = tpu.dynamic_gather %add3A_160[%gather3A_161] in [0] : vector<16xf32>, vector<16xi32> -> vector<16xf32>
        %add3A_163 = arith.addf %add3A_160, %gather3A_162 : vector<16xf32>
        %mul3A_164 = arith.constant 1.562500e-02 : f32
        %mul3A_165 = vector.broadcast %mul3A_164 : f32 to vector<16xf32>
        %mul3A_166 = arith.mulf %add3A_163, %mul3A_165 : vector<16xf32>
        %gather3A_167 = vector.shape_cast %reshape3A : vector<16x1xi32> to vector<16xi32>
        %gather3A_168 = tpu.dynamic_gather %add3A_152[%gather3A_167] in [0] : vector<16xf32>, vector<16xi32> -> vector<16xf32>
        %add3A_169 = arith.addf %add3A_152, %gather3A_168 : vector<16xf32>
        %gather3A_170 = vector.shape_cast %reshape3A_29 : vector<16x1xi32> to vector<16xi32>
        %gather3A_171 = tpu.dynamic_gather %add3A_169[%gather3A_170] in [0] : vector<16xf32>, vector<16xi32> -> vector<16xf32>
        %add3A_172 = arith.addf %add3A_169, %gather3A_171 : vector<16xf32>
        %gather3A_173 = vector.shape_cast %reshape3A_33 : vector<16x1xi32> to vector<16xi32>
        %gather3A_174 = tpu.dynamic_gather %add3A_172[%gather3A_173] in [0] : vector<16xf32>, vector<16xi32> -> vector<16xf32>
        %add3A_175 = arith.addf %add3A_172, %gather3A_174 : vector<16xf32>
        %gather3A_176 = vector.shape_cast %reshape3A_37 : vector<16x1xi32> to vector<16xi32>
        %gather3A_177 = tpu.dynamic_gather %add3A_175[%gather3A_176] in [0] : vector<16xf32>, vector<16xi32> -> vector<16xf32>
        %add3A_178 = arith.addf %add3A_175, %gather3A_177 : vector<16xf32>
        %mul3A_179 = arith.constant 1.562500e-02 : f32
        %mul3A_180 = vector.broadcast %mul3A_179 : f32 to vector<16xf32>
        %mul3A_181 = arith.mulf %add3A_178, %mul3A_180 : vector<16xf32>
        %mul3A_182 = arith.mulf %mul3A_166, %mul3A_166 : vector<16xf32>
        %sub3A = arith.subf %mul3A_181, %mul3A_182 : vector<16xf32>
        %max3A = arith.constant 0.000000e+00 : f32
        %max3A_183 = vector.broadcast %max3A : f32 to vector<16xf32>
        %max3A_184 = arith.maximumf %sub3A, %max3A_183 : vector<16xf32>
        %add3A_185 = arith.constant 9.99999974E-6 : f32
        %add3A_186 = vector.broadcast %add3A_185 : f32 to vector<16xf32>
        %add3A_187 = arith.addf %max3A_184, %add3A_186 : vector<16xf32>
        %bitcast_convert_type3A = tpu.bitcast %add3A_187 : vector<16xf32> -> vector<16xi32>
        %shift_right_arithmetic3A = arith.constant 1 : i32
        %shift_right_arithmetic3A_188 = vector.broadcast %shift_right_arithmetic3A : i32 to vector<16xi32>
        %shift_right_arithmetic3A_189 = arith.shrsi %bitcast_convert_type3A, %shift_right_arithmetic3A_188 : vector<16xi32>
        %sub3A_190 = arith.constant 1597463007 : i32
        %sub3A_191 = vector.broadcast %sub3A_190 : i32 to vector<16xi32>
        %sub3A_192 = arith.subi %sub3A_191, %shift_right_arithmetic3A_189 : vector<16xi32>
        %bitcast_convert_type3A_193 = tpu.bitcast %sub3A_192 : vector<16xi32> -> vector<16xf32>
        %mul3A_194 = arith.constant 5.000000e-01 : f32
        %mul3A_195 = vector.broadcast %mul3A_194 : f32 to vector<16xf32>
        %mul3A_196 = arith.mulf %mul3A_195, %add3A_187 : vector<16xf32>
        %mul3A_197 = arith.mulf %mul3A_196, %bitcast_convert_type3A_193 : vector<16xf32>
        %mul3A_198 = arith.mulf %mul3A_197, %bitcast_convert_type3A_193 : vector<16xf32>
        %sub3A_199 = arith.constant 1.500000e+00 : f32
        %sub3A_200 = vector.broadcast %sub3A_199 : f32 to vector<16xf32>
        %sub3A_201 = arith.subf %sub3A_200, %mul3A_198 : vector<16xf32>
        %mul3A_202 = arith.mulf %bitcast_convert_type3A_193, %sub3A_201 : vector<16xf32>
        %sub3A_203 = arith.subf %get3A_130, %mul3A_166 : vector<16xf32>
        %mul3A_204 = arith.mulf %mul3A_202, %get3A_2 : vector<16xf32>
        %mul3A_205 = arith.mulf %sub3A_203, %mul3A_204 : vector<16xf32>
        %add3A_206 = arith.addf %mul3A_205, %get3A_14 : vector<16xf32>
        %swap3A = arith.index_cast %scan3A_126 : i32 to index
        %swap3A_207 = arith.constant 0 : index
        %swap3A_208 = tpu.vector_load %arg11[%swap3A, %swap3A_207] {strides = array<i32>} : memref<128x64xf32, #tpu.memory_space<vmem>>, vector<1x16xf32>,
        %swap3A_209 = vector.shape_cast %swap3A_208 : vector<1x16xf32> to vector<16xf32>
        %swap3A_210 = vector.shape_cast %add3A_206 : vector<16xf32> to vector<1x16xf32>
        tpu.vector_store %arg11[%swap3A, %swap3A_207], %swap3A_210 {strides = array<i32>} : memref<128x64xf32, #tpu.memory_space<vmem>>, vector<1x16xf32>,
        %sub3A_211 = arith.subf %get3A_134, %mul3A_166 : vector<16xf32>
        %mul3A_212 = arith.mulf %mul3A_202, %get3A_5 : vector<16xf32>
        %mul3A_213 = arith.mulf %sub3A_211, %mul3A_212 : vector<16xf32>
        %add3A_214 = arith.addf %mul3A_213, %get3A_17 : vector<16xf32>
        %swap3A_215 = arith.index_cast %scan3A_126 : i32 to index
        %swap3A_216 = arith.constant 16 : index
        %swap3A_217 = tpu.vector_load %arg11[%swap3A_215, %swap3A_216] {strides = array<i32>} : memref<128x64xf32, #tpu.memory_space<vmem>>, vector<1x16xf32>,
        %swap3A_218 = vector.shape_cast %swap3A_217 : vector<1x16xf32> to vector<16xf32>
        %swap3A_219 = vector.shape_cast %add3A_214 : vector<16xf32> to vector<1x16xf32>
        tpu.vector_store %arg11[%swap3A_215, %swap3A_216], %swap3A_219 {strides = array<i32>} : memref<128x64xf32, #tpu.memory_space<vmem>>, vector<1x16xf32>,
        %sub3A_220 = arith.subf %get3A_138, %mul3A_166 : vector<16xf32>
        %mul3A_221 = arith.mulf %mul3A_202, %get3A_8 : vector<16xf32>
        %mul3A_222 = arith.mulf %sub3A_220, %mul3A_221 : vector<16xf32>
        %add3A_223 = arith.addf %mul3A_222, %get3A_20 : vector<16xf32>
        %swap3A_224 = arith.index_cast %scan3A_126 : i32 to index
        %swap3A_225 = arith.constant 32 : index
        %swap3A_226 = tpu.vector_load %arg11[%swap3A_224, %swap3A_225] {strides = array<i32>} : memref<128x64xf32, #tpu.memory_space<vmem>>, vector<1x16xf32>,
        %swap3A_227 = vector.shape_cast %swap3A_226 : vector<1x16xf32> to vector<16xf32>
        %swap3A_228 = vector.shape_cast %add3A_223 : vector<16xf32> to vector<1x16xf32>
        tpu.vector_store %arg11[%swap3A_224, %swap3A_225], %swap3A_228 {strides = array<i32>} : memref<128x64xf32, #tpu.memory_space<vmem>>, vector<1x16xf32>,
        %sub3A_229 = arith.subf %get3A_142, %mul3A_166 : vector<16xf32>
        %mul3A_230 = arith.mulf %mul3A_202, %get3A_11 : vector<16xf32>
        %mul3A_231 = arith.mulf %sub3A_229, %mul3A_230 : vector<16xf32>
        %add3A_232 = arith.addf %mul3A_231, %get3A_23 : vector<16xf32>
        %swap3A_233 = arith.index_cast %scan3A_126 : i32 to index
        %swap3A_234 = arith.constant 48 : index
        %swap3A_235 = tpu.vector_load %arg11[%swap3A_233, %swap3A_234] {strides = array<i32>} : memref<128x64xf32, #tpu.memory_space<vmem>>, vector<1x16xf32>,
        %swap3A_236 = vector.shape_cast %swap3A_235 : vector<1x16xf32> to vector<16xf32>
        %swap3A_237 = vector.shape_cast %add3A_232 : vector<16xf32> to vector<1x16xf32>
        tpu.vector_store %arg11[%swap3A_233, %swap3A_234], %swap3A_237 {strides = array<i32>} : memref<128x64xf32, #tpu.memory_space<vmem>>, vector<1x16xf32>,
      }
      %scan3A_111 = arith.constant 128 : i32
      %mul3A_112 = arith.constant 128 : i32
      %mul3A_113 = arith.muli %add3A_95, %mul3A_112 : i32
      %add3A_114 = arith.addi %mul3A_39, %mul3A_113 : i32
      %dma_start3A_115 = arith.constant 0 : i32
      %dma_start3A_116 = tpu.memref_slice %arg6[%add3A_114, %dma_start3A_115] : memref<819200x64xf32, #tpu.memory_space<hbm>> -> memref<128x64xf32, #tpu.memory_space<hbm>>
      %dma_start3A_117 = arith.constant 0 : i32
      %dma_start3A_118 = tpu.memref_slice %arg6[%add3A_114, %dma_start3A_117] : memref<819200x64xf32, #tpu.memory_space<hbm>> -> memref<128x64xf32, #tpu.memory_space<hbm>>
      tpu.enqueue_dma source(%arg11 : memref<128x64xf32, #tpu.memory_space<vmem>>) target(%dma_start3A_118 : memref<128x64xf32, #tpu.memory_space<hbm>>) target_semaphore(%arg17 : memref<!tpu.dma_semaphore, #tpu.memory_space<semaphore_mem>>)
      %add3A_119 = arith.constant 2 : i32
      %add3A_120 = arith.addi %add3A_95, %add3A_119 : i32
      %lt3A_121 = arith.constant 200 : i32
      %lt3A_122 = arith.cmpi slt, %add3A_120, %lt3A_121 : i32
      %convert_element_type3A_123 = arith.extui %lt3A_122 : i1 to i32
      %cond3A_124 = arith.constant 0 : i32
      %cond3A_125 = arith.cmpi ne, %convert_element_type3A_123, %cond3A_124 : i32
      scf.if %cond3A_125 {
        %add3A_126 = arith.constant 2 : i32
        %add3A_127 = arith.addi %add3A_95, %add3A_126 : i32
        %mul3A_128 = arith.constant 128 : i32
        %mul3A_129 = arith.muli %add3A_127, %mul3A_128 : i32
        %dma_start3A_130 = tpu.memref_slice %arg7[%mul3A_129] : memref<25600xi32, #tpu.memory_space<vmem>> -> memref<128xi32, #tpu.memory_space<vmem>>
        %dma_start3A_131 = arith.constant 0 : i32
        %dma_start3A_132 = arith.constant 0 : i32
        %dma_start3A_133 = tpu.memref_slice %arg3[%dma_start3A_131, %dma_start3A_132] : memref<100000x128xf32, #tpu.memory_space<hbm>> -> memref<100000x128xf32, #tpu.memory_space<hbm>>
        tpu.enqueue_indirect_dma source(%dma_start3A_133 : memref<100000x128xf32, #tpu.memory_space<hbm>>) target(%arg9 : memref<128x128xf32, #tpu.memory_space<vmem>>) offsets(%dma_start3A_130 : memref<128xi32, #tpu.memory_space<vmem>>) semaphore(%arg15 : memref<!tpu.dma_semaphore, #tpu.memory_space<semaphore_mem>>)
      } else {
      }
    }
    %scan3A_53 = arith.constant 100 : i32
    %dma_wait3A = arith.constant 0 : i32
    %dma_wait3A_54 = tpu.memref_slice %arg6[%mul3A_39, %dma_wait3A] : memref<819200x64xf32, #tpu.memory_space<hbm>> -> memref<128x64xf32, #tpu.memory_space<hbm>>
    %dma_wait3A_55 = arith.constant 0 : i32
    %dma_wait3A_56 = tpu.memref_slice %arg6[%mul3A_39, %dma_wait3A_55] : memref<819200x64xf32, #tpu.memory_space<hbm>> -> memref<128x64xf32, #tpu.memory_space<hbm>>
    tpu.wait_dma2 semaphore(%arg16 : memref<!tpu.dma_semaphore, #tpu.memory_space<semaphore_mem>>) src(%arg10 : memref<128x64xf32, #tpu.memory_space<vmem>>) dst(%dma_wait3A_56 : memref<128x64xf32, #tpu.memory_space<hbm>>)
    %dma_wait3A_57 = arith.constant 0 : i32
    %dma_wait3A_58 = tpu.memref_slice %arg6[%mul3A_39, %dma_wait3A_57] : memref<819200x64xf32, #tpu.memory_space<hbm>> -> memref<128x64xf32, #tpu.memory_space<hbm>>
    %dma_wait3A_59 = arith.constant 0 : i32
    %dma_wait3A_60 = tpu.memref_slice %arg6[%mul3A_39, %dma_wait3A_59] : memref<819200x64xf32, #tpu.memory_space<hbm>> -> memref<128x64xf32, #tpu.memory_space<hbm>>
    tpu.wait_dma2 semaphore(%arg17 : memref<!tpu.dma_semaphore, #tpu.memory_space<semaphore_mem>>) src(%arg11 : memref<128x64xf32, #tpu.memory_space<vmem>>) dst(%dma_wait3A_60 : memref<128x64xf32, #tpu.memory_space<hbm>>)
    return
  }
}

</mosaic_0001>

<sc_bundles>
// kernel: _run.3.cloned.1.call-start
scs
__scs_entry_jumppad:
0x0: {  	(pc) =	sbr.rel $0x88, $3  }
0x1: {  	(tag) =	ssettag $0x0;
	lr =	simm.s32 $0x1  }
0x2: {  	[smem:$0x3F9D] =	sst lr;
	_ =	strace $0xD0000000  }
0x3: {  	_ = 	snop  }
0x4: {  	_ = 	snop  }
0x5: {  	_ = 	snop  }
0x6: {  	_ = 	snop  }
0x7: {  	_ = 	snop  }
__scs_overlays_trampoline_lowered:
0x8: {  	[smem:$0x3FAC] =	sst s0  }
0x9: {  	[smem:$0x3FAD] =	sst s1  }
0xa: {  	[smem:$0x3FAE] =	sst s2  }
0xb: {  	[smem:$0x3FAF] =	sst s3  }
0xc: {  	[smem:$0x3FB0] =	sst s4  }
0xd: {  	[smem:$0x3FB1] =	sst s5  }
0xe: {  	[smem:$0x3FB2] =	sst s6  }
0xf: {  	[smem:$0x3FB3] =	sst s7  }
0x10: {  	[smem:$0x3FB4] =	sst s8  }
0x11: {  	[smem:$0x3FB5] =	sst s9;
	s0 =	simm.s32 @!p0 $0x0  }
0x12: {  	s1 =	sld [smem:$0x3F9B];
	s0 =	simm.s32 @p0 $0x1  }
0x13: {  	[smem:$0x3FB6] =	sst s0;
	s0 =	simm.s32 @!p1 $0x0  }
0x14: {  	s2 =	sld [smem:$0x3F9A];
	s0 =	simm.s32 @p1 $0x1  }
0x15: {  	[smem:$0x3FB7] =	sst s0;
	s0 =	simm.s32 @!p2 $0x0  }
0x16: {  	s3 =	sld [smem:$0x3FDB];
	s0 =	simm.s32 @p2 $0x1  }
0x17: {  	s4 =	simm.s32 $0x1BF5;
	[smem:$0x3FB9] =	sst s0  }
0x18: {  	s0 =	sld [smem:$0x3F9C];
	_ =	swait.ge [sflag:s4], $0x0  }
0x19: {  	s7 =	sld [smem:$0x3F9D]  }
0x1a: {  	s8 =	sadd.s32 $0xFFFFE003, lr  }
0x1b: {  	s9 =	sadd.s32 $0xFFFFFEF7, lr;
	s5 =	simm.s32 $0xFFFFFFFF;
	p2 =	slt.u32 s8, $0xFFFFF086  }
0x1c: {  	p1 =	slt.u32 s9, $0xF7A;
	s5 =	simm.s32 @!p2 $0x0  }
0x1d: {  	s5 =	simm.s32 @p1 $0x1;
	p0 =	seq.s32 s7, s2  }
0x1e: {  	s7 =	smul.u32 @!p0 $0xF7A, s2;
	p2 =	seq.s32 @!p0 s5, $0x0  }
0x1f: {  	s9 =	smul.u32 $0xF7A, s1;
	s8 =	simm.s32 @!p0 $0x1BF5;
	p2 =	por !p2, p0  }
0x20: {  	[sflag:s8] =	ssyncset.s32 @!p0 $0xFFFFF086;
	s6 =	sadd.s32 @!p0 s3, s7;
	s7 =	simm.s32 @!p0 $0x108  }
0x21: {  	s3 =	sadd.s32 s3, s9;
	s6 =	sadd.s32 @!p0 $0x88, s6;
	s7 =	simm.s32 @p2 $0x1082  }
0x22: {  	[simem:s7], [sflag:s8] =	dma.local @!p0 [hbm:s6], $0xF7A  }
0x23: {  	s9 =	sor.u32 $0xD0000000, s2;
	s6 =	simm.s32 $0x108;
	_ =	swait.ge @!p0 [sflag:s8], $0x0  }
0x24: {  	s3 =	sadd.s32 $0x88, s3;
	s6 =	simm.s32 @!p1 $0x1082;
	[sflag:s4] =	ssyncset.s32 $0xFFFFF086  }
0x25: {  	[simem:s6], [sflag:s4] =	dma.local [hbm:s3], $0xF7A  }
0x26: {  	[smem:$0x3F9D] =	sst s1;
	(tag) =	ssettag s2;
	_ =	strace s9  }
0x27: {  	s1 =	sld [smem:$0x3FAD]  }
0x28: {  	s2 =	sld [smem:$0x3FAE]  }
0x29: {  	s4 =	sld [smem:$0x3FB0]  }
0x2a: {  	p0 =	seq.s32 s5, $0x0;
	s5 =	sld [smem:$0x3FB1]  }
0x2b: {  	s6 =	sld [smem:$0x3FB2]  }
0x2c: {  	s7 =	sld [smem:$0x3FB3]  }
0x2d: {  	s3 =	simm.s32 $0x108;
	s8 =	sld [smem:$0x3FB4]  }
0x2e: {  	s3 =	simm.s32 @!p0 $0x1082;
	s9 =	sld [smem:$0x3FB5]  }
0x2f: {  	lr =	sadd.s32 s0, s3;
	s0 =	sld [smem:$0x3FAC]  }
0x30: {  	s3 =	sld [smem:$0x3FAF]  }
0x31: {  	[smem:$0x3FB8] =	sst s10  }
0x32: {  	s10 =	sld [smem:$0x3FB6];
	_ =	sdelay $0x3  }
0x33: {  	p0 =	seq.s32 s10, $0x1;
	s10 =	sld [smem:$0x3FB8];
	_ =	sdelay $0x3  }
0x34: {  	[smem:$0x3FB8] =	sst s10  }
0x35: {  	s10 =	sld [smem:$0x3FB7];
	_ =	sdelay $0x3  }
0x36: {  	p1 =	seq.s32 s10, $0x1;
	s10 =	sld [smem:$0x3FB8];
	_ =	sdelay $0x3  }
0x37: {  	[smem:$0x3FB8] =	sst s10  }
0x38: {  	s10 =	sld [smem:$0x3FB9]  }
0x39: {  	_ = 	snop;
	(pc) =	sbr.ind lr, $3  }
0x3a: {  	_ = 	snop  }
0x3b: {  	_ = 	snop  }
0x3c: {  	p2 =	seq.s32 s10, $0x1;
	s10 =	sld [smem:$0x3FB8]  }
0x3d: {  	_ =	shalt  }
0x3e: {  	_ =	shalt  }
0x3f: {  	_ =	shalt  }
0x40: {  	_ =	shalt  }
0x41: {  	_ =	shalt  }
0x42: {  	_ =	shalt  }
0x43: {  	_ =	shalt  }
0x44: {  	_ =	shalt  }
0x45: {  	_ =	shalt  }
0x46: {  	_ =	shalt  }
0x47: {  	_ =	shalt  }
0x48: {  	_ =	shalt  }
0x49: {  	_ =	shalt  }
0x4a: {  	_ =	shalt  }
0x4b: {  	_ =	shalt  }
0x4c: {  	_ =	shalt  }
0x4d: {  	_ =	shalt  }
0x4e: {  	_ =	shalt  }
0x4f: {  	_ =	shalt  }
0x50: {  	_ =	shalt  }
0x51: {  	_ =	shalt  }
0x52: {  	_ =	shalt  }
0x53: {  	_ =	shalt  }
0x54: {  	_ =	shalt  }
0x55: {  	_ =	shalt  }
0x56: {  	_ =	shalt  }
0x57: {  	_ =	shalt  }
0x58: {  	_ =	shalt  }
0x59: {  	_ =	shalt  }
0x5a: {  	_ =	shalt  }
0x5b: {  	_ =	shalt  }
0x5c: {  	_ =	shalt  }
0x5d: {  	_ =	shalt  }
0x5e: {  	_ =	shalt  }
0x5f: {  	_ =	shalt  }
0x60: {  	_ =	shalt  }
0x61: {  	_ =	shalt  }
0x62: {  	_ =	shalt  }
0x63: {  	_ =	shalt  }
0x64: {  	_ =	shalt  }
0x65: {  	_ =	shalt  }
0x66: {  	_ =	shalt  }
0x67: {  	_ =	shalt  }
0x68: {  	_ =	shalt  }
0x69: {  	_ =	shalt  }
0x6a: {  	_ =	shalt  }
0x6b: {  	_ =	shalt  }
0x6c: {  	_ =	shalt  }
0x6d: {  	_ =	shalt  }
0x6e: {  	_ =	shalt  }
0x6f: {  	_ =	shalt  }
0x70: {  	_ =	shalt  }
0x71: {  	_ =	shalt  }
0x72: {  	_ =	shalt  }
0x73: {  	_ =	shalt  }
0x74: {  	_ =	shalt  }
0x75: {  	_ =	shalt  }
0x76: {  	_ =	shalt  }
0x77: {  	_ =	shalt  }
0x78: {  	_ =	shalt  }
0x79: {  	_ =	shalt  }
0x7a: {  	_ =	shalt  }
0x7b: {  	_ =	shalt  }
0x7c: {  	_ =	shalt  }
0x7d: {  	_ =	shalt  }
0x7e: {  	_ =	shalt  }
0x7f: {  	_ =	shalt  }
0x80: {  	_ =	shalt  }
0x81: {  	_ =	shalt  }
0x82: {  	_ =	shalt  }
0x83: {  	_ =	shalt  }
0x84: {  	_ =	shalt  }
0x85: {  	_ =	shalt  }
0x86: {  	_ =	shalt  }
0x87: {  	_ =	shalt  }
.Lfunc_end0:
.L_simem_size_0:
called_computation_lowered:
.L_overlay_start_0:
0x88: {  	s2 =	sld [smem:$0x3FD9]  }
0x89: {  	s3 =	sld [smem:$0x3FFE];
	_ =	sdelay $0x1  }
0x8a: {  	s1 =	srdreg.scid  }
0x8b: {  	s0 =	sand.u32 $0x1, s1  }
0x8c: {  	s17 =	sshll.u32 s0, $0xA;
	s2 =	sadd.s32 s3, s2  }
0x8d: {  	s2 =	sadd.s32 s2, s17  }
0x8e: {  	[smem:$0x3FC4] =	sst s2  }
0x8f: {  	_ = 	snop  }
0x90: {  	s2 =	sld [smem:$0x3FC9]  }
0x91: {  	s18 =	sld [smem:$0x3FC8]  }
0x92: {  	s4 =	sld [smem:$0x3FC7]  }
0x93: {  	s5 =	sld [smem:$0x3FC6];
	(tm) =	ssettm $0x1  }
0x94: {  	s6 =	sld [smem:$0x3FFB];
	_ =	sdelay $0x3  }
0x95: {  	_ =	strace s6  }
0x96: {  	s6 =	sld [smem:$0x3FFC];
	_ =	sdelay $0x3  }
0x97: {  	_ =	strace s6  }
0x98: {  	s6 =	sld [smem:$0x3FFD];
	_ =	sdelay $0x3  }
0x99: {  	_ =	strace s6  }
0x9a: {  	_ =	strace $0x8FFFFFFF  }
0x9b: {  	s19 =	sld [smem:$0x3FDB];
	_ =	sdelay $0x1  }
0x9c: {  	s7 =	simm.s32 $_scs_section_size  }
0x9d: {  	s8 =	simm.s32 $_size__tile_overlayer_lowered;
	s9 =	simm.s32 $_tile_overlayer_lowered  }
0x9e: {  	s22 =	simm.s32 $0x1BFF;
	s21 =	sshll.u32 s9, $0x1;
	s6 =	sadd.s32 s7, s19  }
0x9f: {  	s10 =	simm.s32 $0x0;
	s20 =	sshll.u32 s8, $0x1;
	s8 =	sadd.s32 s21, s6  }
0xa0: {  	[timem:s10], [sflag:s22] =	dma.local [hbm:s8], s20  }
0xa1: {  	_ =	swait.ge [sflag:s22], s20  }
0xa2: {  	s7 =	ssub.s32 $0x0, s20;
	[sflag:s22] =	ssyncset.done $0x0  }
0xa3: {  	[sflag:s22] =	ssyncadd.s32 s7;
	_ =	sdelay $0x1  }
0xa4: {  	s23 =	simm.s32 $0x1B8B  }
0xa5: {  	_ =	swait.ge [sflag:s23], $0x1  }
0xa6: {  	[sflag:s23] =	ssyncset.done $0x0  }
0xa7: {  	s25 =	simm.s32 $0x1B8E;
	s24 =	sld [smem:$0x3FFE];
	[sflag:s23] =	ssyncadd.s32 $0xFFFFFFFF  }
0xa8: {  	s26 =	simm.s32 $execute0_lowered;
	[smem:$0x3FD2] =	sst s25  }
0xa9: {  	s8 =	sshll.u32 s26, $0x1;
	_ =	strace $0x80000046;
	[dreg:$0x1] =	wrdreg $0xFFFFFFFF  }
0xaa: {  	s28 =	simm.s32 $_size_execute0_lowered;
	s6 =	sadd.s32 s6, s8;
	[dreg:$0x0] =	wrdreg $0x0  }
0xab: {  	s8 =	sshll.u32 s28, $0x1;
	[dreg:$0x2] =	wrdreg s6  }
0xac: {  	[dreg:$0x3] =	wrdreg s8  }
0xad: {  	[dreg:$0x4] =	wrdreg $0xC0  }
0xae: {  	_ =	task [dreg:s10], $0x5FFFF  }
0xaf: {  	[dreg:$0x1] =	wrdreg $0xFFFFFFFF  }
0xb0: {  	[dreg:$0x0] =	wrdreg $0x60  }
0xb1: {  	[dreg:$0x2] =	wrdreg s2  }
0xb2: {  	[dreg:$0x3] =	wrdreg s18  }
0xb3: {  	[dreg:$0x4] =	wrdreg s4  }
0xb4: {  	[dreg:$0x5] =	wrdreg s5  }
0xb5: {  	[dreg:$0x6] =	wrdreg s24  }
0xb6: {  	[dreg:$0x7] =	wrdreg $0x9  }
0xb7: {  	_ =	task.clear_ibuf [dreg:s10], $0x8FFFF;
	_ =	strace $0x90000046  }
0xb8: {  	s29 =	simm.s32 $0x9;
	_ =	strace $0x80000048  }
0xb9: {  	_ =	swait.ge [sflag:s29], $0x1  }
0xba: {  	[sflag:s29] =	ssyncadd.s32 $0xFFFFFFFF  }
0xbb: {  	_ =	strace $0x90000048  }
0xbc: {  	_ =	sfence  }
0xbd: {  	s30 =	sld [smem:$0x0];
	_ =	sdelay $0x2  }
0xbe: {  	s31 =	sshll.u32 s1, $0xD;
	s1 =	sshrl.u32 s1, $0x2  }
0xbf: {  	s3 =	sand.u32 $0x4000, s31;
	s1 =	sadd.s32 s1, s30  }
0xc0: {  	s0 =	sor.u32 s3, s0;
	s1 =	sshll.u32 s1, $0x11  }
0xc1: {  	s0 =	sor.u32 s1, s0  }
0xc2: {  	s0 =	sadd.s32 $0x8F2B, s0  }
0xc3: {  	[sflag:s0] =	ssyncadd.remote.s32 $0x1  }
0xc4: {  	_ =	sfence.sel $0xFFFF  }
0xc5: {  	[dreg:$0x0] =	wrdreg $0xFFFFFFFF;
	(pc) =	sbr.abs _section_cstart, $3  }
0xc6: {  	[dreg:$0x1] =	wrdreg $0xFFFFFFFF  }
0xc7: {  	_ =	task.clear_ibuf [dreg:s10], $0x2FFFF;
	_ =	strace $0x9FFFFFFF  }
0xc8: {  	(tm) =	ssettm $0x7FFFFFFF  }
0xc9: {  	_ =	shalt  }
tec
execute0_lowered:
.L_overlay_start_1:
0x0: {  	(tag) =	ssettag $0x1  }
0x1: {  	s7 =	rddreg [dreg:$0x0]  }
0x2: {  	s0 =	rddreg [dreg:$0x1]  }
0x3: {  	s2 =	rddreg [dreg:$0x2]  }
0x4: {  	s3 =	rddreg [dreg:$0x3]  }
0x5: {  	v0 =	vimm.s32 $0xEFCDAB89;
	s4 =	srdreg.scid;
	s1 =	stileid.u32;
	v1 =	vimm.s32 $0x67452301;
	v2 =	vimm.s32 $0xDCFE98BA  }
0x6: {  	s6 =	rddreg [dreg:$0x4];
	v3 =	vimm.s32 $0x54761032;
	v4 =	vimm.s32 $0xBA98FEDC;
	s13 =	simm.s32 $0x16480;
	s14 =	simm.s32 $0x80  }
0x7: {  	v5 =	vimm.s32 $0x32107654;
	v6 =	vimm.s32 $0xFEDCBA98;
	s15 =	simm.s32 $0x6400;
	s16 =	simm.s32 $0xA400;
	s17 =	simm.s32 $0x1  }
0x8: {  	v7 =	vimm.s32 $0x76543210;
	s18 =	simm.s32 $0xE400;
	s19 =	simm.s32 $0x2;
	s20 =	simm.s32 $0x4;
	v0 =	vunpack.c.l.s4.s8 v0;
	v1 =	vunpack.c.l.s4.s8 v1  }
0x9: {  	s21 =	simm.s32 $0x12400;
	s8 =	sand.u32 $0x1, s4;
	s5 =	sshll.u32 s1, $0x1;
	v2 =	vunpack.c.l.s4.s8 v2;
	v3 =	vunpack.c.l.s4.s8 v3;
	v4 =	vunpack.c.l.s4.s8 v4  }
0xa: {  	s22 =	simm.s32 $0x3;
	s23 =	simm.s32 $0x0;
	v5 =	vunpack.c.l.s4.s8 v5;
	v6 =	vunpack.c.l.s4.s8 v6;
	v7 =	vunpack.c.l.s4.s8 v7;
	s9 =	sor.u32 s8, s5  }
0xb: {  	s4 =	rddreg [dreg:$0x5];
	s6 =	sadd.s32 $0x400, s6;
	v0 =	vunpack.c.0.s8.s32 v0;
	s10 =	smul.u32 $0xC80, s9;
	v1 =	vunpack.c.0.s8.s32 v1;
	v2 =	vunpack.c.0.s8.s32 v2  }
.Ltmp0:
0xc: {  	s5 =	simm.s32 $0x0;
	s8 =	ssub.s32 $0x2, s8;
	v3 =	vunpack.c.0.s8.s32 v3;
	v4 =	vunpack.c.0.s8.s32 v4;
	v5 =	vunpack.c.0.s8.s32 v5;
	(pc) =	sbr.rel .LBB2_1-.Ltmp0, $4  }
0xd: {  	[smem:$0x7FF] =	sst s5;
	s11 =	sshrl.u32 s8, $0x1;
	s12 =	smul.u32 $0x64000, s9;
	v0 =	vcombine.low v1, v0;
	v1 =	vunpack.c.0.s8.s32 v6  }
0xe: {  	_ =	strace $0x80000047;
	s11 =	ssub.s32 s8, s11;
	s8 =	smul.u32 $0x320000, s9;
	v2 =	vcombine.low v3, v2;
	v3 =	vcombine.low v5, v4;
	v4 =	vunpack.c.0.s8.s32 v7  }
0xf: {  	s7 =	sadd.s32 s7, s10;
	s31 =	sadd.s32 s12, s6;
	s9 =	smax.u32 s11, $0x1;
	v0 =	vand.u32 $0xF, v0;
	v5 =	vand.u32 $0xF, v1  }
0x10: {  	s11 =	simm.s32 $0x16400;
	s12 =	simm.s32 $0x5;
	s10 =	sadd.s32 $0x800, s31;
	v1 =	vand.u32 $0xF, v2;
	v2 =	vand.u32 $0xF, v3;
	v3 =	vcombine.low v5, v4  }
.LBB2_12:
0x11: {  	s23 =	sadd.s32 $0x1, s23  }
0x12: {  	_ =	swait.ge [sflag:s22], $0x4000;
	p0 =	sne.s32 s23, s9  }
.Ltmp1:
0x13: {  	[sflag:s22] =	ssyncset.done $0x0;
	(pc) =	sbr.rel @!p0 .LBB2_13-.Ltmp1, $4  }
0x14: {  	[sflag:s22] =	ssyncadd.s32 $0xFFFFC000  }
0x15: {  	_ =	swait.ge [sflag:s20], $0x4000  }
0x16: {  	[sflag:s20] =	ssyncset.done $0x0  }
0x17: {  	[sflag:s20] =	ssyncadd.s32 $0xFFFFC000  }
.LBB2_1:
0x18: {  	[tilespmem:s11], [sflag:$0x5] =	stream.linear.gather [hbm4b:s2+s5], $0x80, $0x38;
	[tilespmem:$0x16500] =	vst v63  }
0x19: {  	_ =	swait.ge [sflag:s12], $0x80  }
0x1a: {  	[sflag:s12] =	ssyncset.done $0x0  }
0x1b: {  	[sflag:s12] =	ssyncadd.s32 $0xFFFFFF80  }
0x1c: {  	[tilespmem:s13], [sflag:$0x5] =	stream.linear.gather [hbm4b:s3+s5], $0x80, $0x38;
	[tilespmem:$0x16500] =	vst v63  }
0x1d: {  	_ =	swait.ge [sflag:s12], $0x80  }
0x1e: {  	[sflag:s12] =	ssyncset.done $0x0  }
0x1f: {  	[sflag:s12] =	ssyncadd.s32 $0xFFFFFF80  }
0x20: {  	v4 =	vld [tilespmem:$0x16400]  }
0x21: {  	v5 =	vld [tilespmem:$0x16410]  }
0x22: {  	v6 =	vld [tilespmem:$0x16420]  }
0x23: {  	v7 =	vld [tilespmem:$0x16430]  }
0x24: {  	v8 =	vld [tilespmem:$0x16480]  }
0x25: {  	v9 =	vld [tilespmem:$0x16490]  }
0x26: {  	v10 =	vld [tilespmem:$0x164A0]  }
0x27: {  	v11 =	vld [tilespmem:$0x164B0];
	[tilespmem:s5], [sflag:$0x5] =	stream.linear.gather [hbm4b:s7+s5], $0x6400, $0x38  }
0x28: {  	_ =	swait.ge [sflag:s12], $0x6400  }
0x29: {  	[sflag:s12] =	ssyncset.done $0x0  }
0x2a: {  	[sflag:s12] =	ssyncadd.s32 $0xFFFF9C00  }
0x2b: {  	[tilespmem:s15], [sflag:$0x1] =	stream.indirect.gather [hbm4b:s0+s14], $0x80, s5, s14, $0xb8;
	[tilespmem:$0x16500] =	vst v63  }
0x2c: {  	s24 =	simm.s32 $0x0  }
0x2d: {  	[tilespmem:s16], [sflag:$0x2] =	stream.indirect.gather [hbm4b:s0+s14], $0x80, s14, s14, $0xb8;
	[tilespmem:$0x16500] =	vst v63  }
.LBB2_2:
0x2e: {  	_ =	swait.ge [sflag:s17], $0x4000  }
0x2f: {  	p0 =	seq.s32 s24, $0x0;
	[sflag:s17] =	ssyncset.done $0x0  }
0x30: {  	s25 =	simm.s32 @!p0 $0x3;
	[sflag:s17] =	ssyncadd.s32 $0xFFFFC000  }
0x31: {  	_ =	swait.ge @!p0 [sflag:s25], $0x4000  }
0x32: {  	[sflag:s25] =	ssyncset.done @!p0 $0x0  }
0x33: {  	s26 =	simm.s32 $0x0;
	[sflag:s25] =	ssyncadd.s32 @!p0 $0xFFFFC000  }
0x34: {  	v17 =	vld [tilespmem:s26+$0x6400]  }
0x35: {  	v18 =	vld [tilespmem:s26+$0x6410]  }
0x36: {  	v19 =	vld [tilespmem:s26+$0x6420]  }
0x37: {  	v21 =	vld [tilespmem:s26+$0x6430];
	_ =	sdelay $0x3  }
0x38: {  	v12 =	vadd.f32 v18, v17;
	v13 =	vmul.f32 v17, v17;
	v14 =	vmul.f32 v18, v18  }
0x39: {  	v15 =	vmul.f32 v19, v19;
	v16 =	vadd.f32 v21, v19;
	v20 =	vmul.f32 v21, v21  }
0x3a: {  	v13 =	vadd.f32 v14, v13  }
0x3b: {  	v14 =	vadd.f32 v20, v15;
	v12 =	vadd.f32 v16, v12;
	_ =	sdelay $0x1  }
0x3c: {  	v13 =	vadd.f32 v14, v13;
	v14 =	vperm.xlane v12, v0;
	_ =	sdelay $0x1  }
0x3d: {  	v15 =	vperm.xlane v13, v0;
	v12 =	vadd.f32 v12, v14;
	_ =	sdelay $0x1  }
0x3e: {  	v13 =	vadd.f32 v15, v13;
	v14 =	vperm.xlane v12, v1  }
0x3f: {  	s28 =	simm.s32 $0x80  }
0x40: {  	v22 =	vld [tilespmem:s28+$0x6400];
	v15 =	vperm.xlane v13, v1;
	v14 =	vadd.f32 v12, v14  }
0x41: {  	v23 =	vld [tilespmem:s28+$0x6410]  }
0x42: {  	v24 =	vld [tilespmem:s28+$0x6420];
	v13 =	vadd.f32 v15, v13;
	v15 =	vperm.xlane v14, v2  }
0x43: {  	v12 =	vld [tilespmem:s28+$0x6430]  }
0x44: {  	v16 =	vperm.xlane v13, v2;
	v14 =	vadd.f32 v14, v15;
	_ =	sdelay $0x1  }
0x45: {  	v25 =	vmul.f32 v23, v23;
	v13 =	vadd.f32 v16, v13;
	v16 =	vperm.xlane v14, v3  }
0x46: {  	v26 =	vmul.f32 v24, v24;
	v20 =	vadd.f32 v23, v22;
	v15 =	vmul.f32 v22, v22  }
0x47: {  	v27 =	vmul.f32 v12, v12;
	v28 =	vperm.xlane v13, v3;
	v14 =	vadd.f32 v14, v16  }
0x48: {  	v15 =	vadd.f32 v25, v15;
	v16 =	vadd.f32 v12, v24  }
0x49: {  	v25 =	vadd.f32 v27, v26;
	v13 =	vadd.f32 v28, v13;
	v26 =	vmul.f32 $1.562500000e-02, v14  }
0x4a: {  	v14 =	vadd.f32 v16, v20  }
0x4b: {  	v15 =	vadd.f32 v25, v15;
	v13 =	vmul.f32 $1.562500000e-02, v13;
	v16 =	vmul.f32 v26, v26  }
0x4c: {  	v20 =	vperm.xlane v14, v0  }
0x4d: {  	v25 =	vperm.xlane v15, v0;
	v13 =	vsub.f32 v13, v16  }
0x4e: {  	v14 =	vadd.f32 v14, v20  }
0x4f: {  	v20 =	vadd.f32 v25, v15;
	v13 =	vmax.f32 v13, $0.0e+00  }
0x50: {  	s29 =	simm.s32 $0x100;
	v15 =	vperm.xlane v14, v1;
	v25 =	vadd.f32 $9.999999740e-06, v13  }
0x51: {  	v16 =	vld [tilespmem:s29+$0x6400];
	v27 =	vperm.xlane v20, v1  }
0x52: {  	v13 =	vld [tilespmem:s29+$0x6410];
	v28 =	vadd.f32 v14, v15;
	v14 =	vshra.s32 v25, $0x1;
	v25 =	vmul.f32 $-5.000000000e-01, v25  }
0x53: {  	v20 =	vadd.f32 v27, v20;
	v27 =	vsub.s32 $0x5F3759DF, v14  }
0x54: {  	v15 =	vld [tilespmem:s29+$0x6420];
	v29 =	vperm.xlane v28, v2;
	v25 =	vmul.f32 v27, v25  }
0x55: {  	v30 =	vsub.f32 v17, v26;
	v31 =	vsub.f32 v18, v26;
	v14 =	vld [tilespmem:s29+$0x6430];
	v17 =	vperm.xlane v20, v2  }
0x56: {  	v21 =	vsub.f32 v21, v26;
	v28 =	vadd.f32 v28, v29;
	v25 =	vmul.f32 v27, v25  }
0x57: {  	v29 =	vmul.f32 v16, v16;
	v32 =	vmul.f32 v13, v13;
	v17 =	vadd.f32 v17, v20  }
0x58: {  	v18 =	vadd.f32 v13, v16;
	v33 =	vperm.xlane v28, v3;
	v25 =	vadd.f32 $1.500000000e+00, v25  }
0x59: {  	v20 =	vmul.f32 v15, v15;
	v36 =	vperm.xlane v17, v3;
	v29 =	vadd.f32 v32, v29  }
0x5a: {  	v35 =	vmul.f32 v14, v14;
	v28 =	vadd.f32 v28, v33;
	v25 =	vmul.f32 v27, v25  }
0x5b: {  	v34 =	vadd.f32 v14, v15;
	v17 =	vadd.f32 v36, v17  }
0x5c: {  	v27 =	vadd.f32 v35, v20;
	v20 =	vmul.f32 $1.562500000e-02, v28;
	v28 =	vmul.f32 v25, v7  }
0x5d: {  	v26 =	vsub.f32 v19, v26;
	v18 =	vadd.f32 v34, v18;
	v19 =	vmul.f32 $1.562500000e-02, v17  }
0x5e: {  	v27 =	vadd.f32 v27, v29;
	v29 =	vmul.f32 v20, v20;
	v21 =	vmul.f32 v28, v21  }
0x5f: {  	v61 =	vperm.xlane v18, v0;
	v17 =	vsub.f32 v22, v20;
	v28 =	vmul.f32 v25, v4  }
0x60: {  	v22 =	vperm.xlane v27, v0;
	v19 =	vsub.f32 v19, v29;
	v21 =	vadd.f32 v21, v11  }
0x61: {  	v32 =	vadd.f32 v18, v61;
	v18 =	vsub.f32 v23, v20;
	v29 =	vmul.f32 v25, v5  }
0x62: {  	s30 =	simm.s32 $0x180;
	v25 =	vmul.f32 v25, v6;
	v22 =	vadd.f32 v22, v27;
	v19 =	vmax.f32 v19, $0.0e+00;
	[tilespmem:s26+$0xE430] =	vst v21  }
0x63: {  	v27 =	vperm.xlane v32, v1;
	v28 =	vmul.f32 v28, v30;
	v62 =	vadd.f32 $9.999999740e-06, v19;
	v23 =	vld [tilespmem:s30+$0x6400]  }
0x64: {  	v63 =	vmul.f32 v29, v31;
	v19 =	vsub.f32 v24, v20;
	v24 =	vperm.xlane v22, v1;
	v21 =	vld [tilespmem:s30+$0x6410]  }
0x65: {  	v29 =	vadd.f32 v32, v27;
	v27 =	vshra.s32 v62, $0x1;
	v31 =	vmul.f32 $-5.000000000e-01, v62  }
0x66: {  	v25 =	vmul.f32 v25, v26;
	v30 =	vadd.f32 v24, v22;
	v22 =	vld [tilespmem:s30+$0x6420];
	v27 =	vsub.s32 $0x5F3759DF, v27  }
0x67: {  	v26 =	vadd.f32 v28, v8;
	v32 =	vperm.xlane v29, v2;
	v24 =	vld [tilespmem:s30+$0x6430];
	v31 =	vmul.f32 v27, v31  }
0x68: {  	s31 =	simm.s32 $0x800;
	s25 =	sshll.u32 s24, $0xA;
	v28 =	vadd.f32 v63, v9;
	v25 =	vadd.f32 v25, v10;
	v33 =	vperm.xlane v30, v2  }
.LBB2_3:
0x69: {  	p1 =	sne.s32 s31, $0xFE00;
	v34 =	vadd.f32 v21, v23;
	v29 =	vadd.f32 v29, v32;
	v31 =	vmul.f32 v27, v31;
	[tilespmem:s26+$0xE400] =	vst v26  }
0x6a: {  	v26 =	vmul.f32 v23, v23;
	v32 =	vmul.f32 v21, v21;
	v30 =	vadd.f32 v33, v30;
	[tilespmem:s26+$0xE410] =	vst v28  }
0x6b: {  	v28 =	vmul.f32 v22, v22;
	v33 =	vperm.xlane v29, v3;
	v31 =	vadd.f32 $1.500000000e+00, v31;
	[tilespmem:s26+$0xE420] =	vst v25;
	s26 =	smov.u32 s28;
	s28 =	smov.u32 s29;
	s29 =	smov.u32 s30  }
0x6c: {  	v25 =	vadd.f32 v24, v22;
	v35 =	vmul.f32 v24, v24;
	v36 =	vperm.xlane v30, v3  }
0x6d: {  	v26 =	vadd.f32 v32, v26;
	v29 =	vadd.f32 v29, v33;
	v27 =	vmul.f32 v27, v31  }
0x6e: {  	v28 =	vadd.f32 v35, v28;
	v30 =	vadd.f32 v36, v30  }
0x6f: {  	v31 =	vsub.f32 v12, v20;
	v12 =	vmovc v14;
	v14 =	vmovc v24;
	v20 =	vmul.f32 $1.562500000e-02, v29;
	v29 =	vmul.f32 v27, v7  }
0x70: {  	v24 =	vadd.f32 v25, v34;
	v25 =	vmul.f32 $1.562500000e-02, v30;
	v30 =	vmul.f32 v27, v4  }
0x71: {  	v26 =	vadd.f32 v28, v26;
	v28 =	vmul.f32 v20, v20;
	v29 =	vmul.f32 v29, v31  }
0x72: {  	v33 =	vmul.f32 v27, v5;
	v31 =	vperm.xlane v24, v0;
	v32 =	vsub.f32 v16, v20;
	v16 =	vmovc v23  }
0x73: {  	v23 =	vperm.xlane v26, v0;
	v25 =	vsub.f32 v25, v28;
	v28 =	vadd.f32 v29, v11  }
0x74: {  	v24 =	vadd.f32 v24, v31;
	v29 =	vsub.f32 v13, v20;
	v31 =	vmul.f32 v27, v6;
	v13 =	vmovc v21  }
0x75: {  	s30 =	sshra.s32 s31, $0x2;
	v26 =	vadd.f32 v23, v26;
	v21 =	vmax.f32 v25, $0.0e+00;
	v25 =	vsub.f32 v15, v20;
	[tilespmem:s26+$0xE430] =	vst v28;
	v15 =	vmovc v22  }
0x76: {  	v22 =	vperm.xlane v24, v1;
	v28 =	vmul.f32 v30, v17;
	v17 =	vmovc v32;
	v23 =	vld [tilespmem:s30+$0x6400];
	v27 =	vadd.f32 $9.999999740e-06, v21  }
.Ltmp2:
0x77: {  	v34 =	vmul.f32 v33, v18;
	v18 =	vmov v29;
	v30 =	vperm.xlane v26, v1;
	v21 =	vld [tilespmem:s30+$0x6410];
	(pc) =	sbr.rel @p1 .LBB2_3-.Ltmp2, $4  }
0x78: {  	v29 =	vadd.f32 v24, v22;
	v24 =	vshra.s32 v27, $0x1;
	v33 =	vmul.f32 $-5.000000000e-01, v27  }
0x79: {  	v35 =	vmul.f32 v31, v19;
	v19 =	vmovc v25;
	v30 =	vadd.f32 v30, v26;
	v22 =	vld [tilespmem:s30+$0x6420];
	v27 =	vsub.s32 $0x5F3759DF, v24  }
0x7a: {  	v26 =	vadd.f32 v28, v8;
	v32 =	vperm.xlane v29, v2;
	v24 =	vld [tilespmem:s30+$0x6430];
	v31 =	vmul.f32 v27, v33  }
0x7b: {  	s31 =	sadd.s32 $0x200, s31;
	v25 =	vadd.f32 v35, v10;
	v28 =	vadd.f32 v34, v9;
	v33 =	vperm.xlane v30, v2  }
0x7c: {  	_ =	sdelay $0x1  }
0x7d: {  	v34 =	vadd.f32 v21, v23;
	v35 =	vmul.f32 v23, v23;
	v36 =	vmul.f32 v21, v21  }
0x7e: {  	v37 =	vmul.f32 v22, v22;
	v38 =	vadd.f32 v24, v22;
	v39 =	vmul.f32 v24, v24  }
0x7f: {  	v35 =	vadd.f32 v36, v35  }
0x80: {  	v46 =	vadd.f32 v39, v37;
	v34 =	vadd.f32 v38, v34;
	_ =	sdelay $0x1  }
0x81: {  	v35 =	vadd.f32 v46, v35;
	v47 =	vperm.xlane v34, v0;
	_ =	sdelay $0x1  }
0x82: {  	v34 =	vadd.f32 v34, v47;
	v48 =	vperm.xlane v35, v0;
	_ =	sdelay $0x1  }
0x83: {  	v49 =	vadd.f32 v48, v35;
	v50 =	vperm.xlane v34, v1;
	_ =	sdelay $0x1  }
0x84: {  	v29 =	vadd.f32 v29, v32;
	v36 =	vperm.xlane v49, v1;
	v34 =	vadd.f32 v34, v50  }
0x85: {  	v30 =	vadd.f32 v33, v30  }
0x86: {  	v51 =	vperm.xlane v29, v3;
	v32 =	vadd.f32 v36, v49;
	v53 =	vperm.xlane v34, v2  }
0x87: {  	v52 =	vperm.xlane v30, v3  }
0x88: {  	v29 =	vadd.f32 v29, v51;
	v54 =	vperm.xlane v32, v2;
	v33 =	vadd.f32 v34, v53  }
0x89: {  	v30 =	vadd.f32 v52, v30  }
0x8a: {  	v29 =	vmul.f32 $1.562500000e-02, v29;
	v32 =	vadd.f32 v54, v32;
	v56 =	vperm.xlane v33, v3  }
0x8b: {  	v31 =	vmul.f32 v27, v31;
	v30 =	vmul.f32 $1.562500000e-02, v30  }
0x8c: {  	v55 =	vmul.f32 v29, v29;
	v57 =	vperm.xlane v32, v3;
	v33 =	vadd.f32 v33, v56  }
0x8d: {  	v31 =	vadd.f32 $1.500000000e+00, v31  }
0x8e: {  	v30 =	vsub.f32 v30, v55;
	v32 =	vadd.f32 v57, v32;
	v33 =	vmul.f32 $1.562500000e-02, v33  }
0x8f: {  	v58 =	vmul.f32 v27, v31  }
0x90: {  	v30 =	vmax.f32 v30, $0.0e+00;
	v59 =	vmul.f32 $1.562500000e-02, v32;
	v60 =	vmul.f32 v33, v33  }
0x91: {  	v30 =	vadd.f32 $9.999999740e-06, v30  }
0x92: {  	v12 =	vsub.f32 v12, v20;
	v62 =	vmul.f32 v58, v7;
	v31 =	vsub.f32 v59, v60  }
0x93: {  	v63 =	vmul.f32 v58, v4;
	v61 =	vshra.s32 v30, $0x1;
	v30 =	vmul.f32 $-5.000000000e-01, v30  }
0x94: {  	v27 =	vmul.f32 v58, v6;
	v20 =	vsub.s32 $0x5F3759DF, v61;
	v31 =	vmax.f32 v31, $0.0e+00  }
0x95: {  	v12 =	vmul.f32 v62, v12;
	v30 =	vmul.f32 v20, v30;
	v31 =	vadd.f32 $9.999999740e-06, v31  }
0x96: {  	v16 =	vsub.f32 v16, v29;
	v17 =	vmul.f32 v63, v17;
	v13 =	vsub.f32 v13, v29  }
0x97: {  	v30 =	vmul.f32 v20, v30;
	v37 =	vshra.s32 v31, $0x1;
	v31 =	vmul.f32 $-5.000000000e-01, v31  }
0x98: {  	v15 =	vsub.f32 v15, v29;
	v36 =	vmul.f32 v58, v5;
	v38 =	vsub.s32 $0x5F3759DF, v37  }
0x99: {  	v19 =	vmul.f32 v27, v19;
	v30 =	vadd.f32 $1.500000000e+00, v30;
	v39 =	vmul.f32 v38, v31  }
0x9a: {  	v14 =	vsub.f32 v14, v29;
	v12 =	vadd.f32 v12, v11;
	v18 =	vmul.f32 v36, v18  }
0x9b: {  	v17 =	vadd.f32 v17, v8;
	v20 =	vmul.f32 v20, v30;
	v41 =	vmul.f32 v38, v39  }
0x9c: {  	[tilespmem:s26+$0xE400] =	vst v26;
	v19 =	vadd.f32 v19, v10;
	v18 =	vadd.f32 v18, v9  }
0x9d: {  	[tilespmem:s26+$0xE410] =	vst v28;
	v40 =	vmul.f32 v20, v7;
	v43 =	vmul.f32 v20, v4;
	v42 =	vadd.f32 $1.500000000e+00, v41  }
0x9e: {  	[tilespmem:s26+$0xE420] =	vst v25;
	v44 =	vsub.f32 v23, v33;
	v45 =	vmul.f32 v20, v5;
	v49 =	vmul.f32 v20, v6  }
0x9f: {  	[tilespmem:s28+$0xE430] =	vst v12;
	v47 =	vsub.f32 v21, v33;
	v14 =	vmul.f32 v40, v14;
	v48 =	vmul.f32 v38, v42  }
0xa0: {  	[tilespmem:s28+$0xE400] =	vst v17;
	v50 =	vsub.f32 v22, v33;
	v51 =	vsub.f32 v24, v33;
	v16 =	vmul.f32 v43, v16  }
0xa1: {  	[tilespmem:s28+$0xE420] =	vst v19;
	v13 =	vmul.f32 v45, v13;
	v46 =	vadd.f32 v14, v11;
	v52 =	vmul.f32 v48, v7  }
0xa2: {  	[tilespmem:s28+$0xE410] =	vst v18;
	v15 =	vmul.f32 v49, v15;
	v16 =	vadd.f32 v16, v8;
	v53 =	vmul.f32 v48, v4  }
0xa3: {  	v54 =	vadd.f32 v13, v9;
	[tilespmem:s29+$0xE430] =	vst v46;
	v56 =	vmul.f32 v48, v5;
	v55 =	vmul.f32 v52, v51  }
0xa4: {  	v15 =	vadd.f32 v15, v10;
	[tilespmem:s29+$0xE400] =	vst v16;
	v57 =	vmul.f32 v48, v6;
	v17 =	vmul.f32 v53, v44  }
0xa5: {  	[tilespmem:s29+$0xE410] =	vst v54;
	v59 =	vmul.f32 v56, v47;
	v58 =	vadd.f32 v55, v11  }
0xa6: {  	p1 =	sne.s32 s24, $0x63;
	[tilespmem:s29+$0xE420] =	vst v15;
	v60 =	vmul.f32 v57, v50;
	v61 =	vadd.f32 v17, v8  }
.Ltmp3:
0xa7: {  	s31 =	sshll.u32 s24, $0xF;
	v62 =	vadd.f32 v59, v9;
	[tilespmem:s30+$0xE430] =	vst v58;
	(pc) =	sbr.rel @p1 .LBB2_6-.Ltmp3, $4  }
0xa8: {  	s26 =	sadd.s32 s8, s31;
	v63 =	vadd.f32 v60, v10;
	[tilespmem:s30+$0xE400] =	vst v61  }
0xa9: {  	s26 =	sshrl.u32 s26, $0x3;
	[tilespmem:s30+$0xE410] =	vst v62  }
0xaa: {  	s26 =	sadd.s32 s6, s26;
	[tilespmem:s30+$0xE420] =	vst v63  }
0xab: {  	[hbm4b:s26+s5] =	stream.linear.scatter [tilespmem:s18], [sflag:$0x3], $0x4000, $0x38;
	[tilespmem:$0x16500] =	vst v63  }
.Ltmp4:
0xac: {  	(pc) =	sbr.rel .LBB2_7-.Ltmp4, $4  }
0xad: {  	_ = 	snop  }
0xae: {  	_ =	swait.ge [sflag:s19], $0x4000  }
0xaf: {  	[sflag:s19] =	ssyncset.done $0x0  }
0xb0: {  	[sflag:s19] =	ssyncadd.s32 $0xFFFFC000  }
.LBB2_6:
0xb1: {  	s26 =	sshrl.u32 s25, $0x2  }
.Ltmp5:
0xb2: {  	s26 =	sadd.s32 $0x100, s26;
	(pc) =	sbr.rel @p0 .LBB2_8-.Ltmp5, $4  }
0xb3: {  	[tilespmem:s15], [sflag:$0x1] =	stream.indirect.gather [hbm4b:s0+s14], $0x80, s26, s14, $0xb8;
	[tilespmem:$0x16500] =	vst v63  }
0xb4: {  	_ =	swait.ge [sflag:s19], $0x4000  }
0xb5: {  	[sflag:s19] =	ssyncset.done $0x0  }
0xb6: {  	[sflag:s19] =	ssyncadd.s32 $0xFFFFC000  }
.LBB2_7:
0xb7: {  	_ =	swait.ge [sflag:s20], $0x4000  }
0xb8: {  	[sflag:s20] =	ssyncset.done $0x0  }
0xb9: {  	[sflag:s20] =	ssyncadd.s32 $0xFFFFC000  }
.LBB2_8:
0xba: {  	s26 =	simm.s32 $0x0  }
0xbb: {  	v17 =	vld [tilespmem:s26+$0xA400]  }
0xbc: {  	v18 =	vld [tilespmem:s26+$0xA410]  }
0xbd: {  	v19 =	vld [tilespmem:s26+$0xA420]  }
0xbe: {  	v21 =	vld [tilespmem:s26+$0xA430];
	_ =	sdelay $0x3  }
0xbf: {  	v12 =	vadd.f32 v18, v17;
	v13 =	vmul.f32 v17, v17;
	v14 =	vmul.f32 v18, v18  }
0xc0: {  	v15 =	vmul.f32 v19, v19;
	v16 =	vadd.f32 v21, v19;
	v20 =	vmul.f32 v21, v21  }
0xc1: {  	v13 =	vadd.f32 v14, v13  }
0xc2: {  	v14 =	vadd.f32 v20, v15;
	v12 =	vadd.f32 v16, v12;
	_ =	sdelay $0x1  }
0xc3: {  	v13 =	vadd.f32 v14, v13;
	v14 =	vperm.xlane v12, v0;
	_ =	sdelay $0x1  }
0xc4: {  	v15 =	vperm.xlane v13, v0;
	v12 =	vadd.f32 v12, v14;
	_ =	sdelay $0x1  }
0xc5: {  	v13 =	vadd.f32 v15, v13;
	v14 =	vperm.xlane v12, v1  }
0xc6: {  	s28 =	simm.s32 $0x80  }
0xc7: {  	v22 =	vld [tilespmem:s28+$0xA400];
	v15 =	vperm.xlane v13, v1;
	v14 =	vadd.f32 v12, v14  }
0xc8: {  	v23 =	vld [tilespmem:s28+$0xA410]  }
0xc9: {  	v24 =	vld [tilespmem:s28+$0xA420];
	v13 =	vadd.f32 v15, v13;
	v15 =	vperm.xlane v14, v2  }
0xca: {  	v12 =	vld [tilespmem:s28+$0xA430]  }
0xcb: {  	v16 =	vperm.xlane v13, v2;
	v14 =	vadd.f32 v14, v15;
	_ =	sdelay $0x1  }
0xcc: {  	v25 =	vmul.f32 v23, v23;
	v13 =	vadd.f32 v16, v13;
	v16 =	vperm.xlane v14, v3  }
0xcd: {  	v26 =	vmul.f32 v24, v24;
	v20 =	vadd.f32 v23, v22;
	v15 =	vmul.f32 v22, v22  }
0xce: {  	v27 =	vmul.f32 v12, v12;
	v28 =	vperm.xlane v13, v3;
	v14 =	vadd.f32 v14, v16  }
0xcf: {  	v15 =	vadd.f32 v25, v15;
	v16 =	vadd.f32 v12, v24  }
0xd0: {  	v25 =	vadd.f32 v27, v26;
	v13 =	vadd.f32 v28, v13;
	v26 =	vmul.f32 $1.562500000e-02, v14  }
0xd1: {  	v14 =	vadd.f32 v16, v20  }
0xd2: {  	v15 =	vadd.f32 v25, v15;
	v13 =	vmul.f32 $1.562500000e-02, v13;
	v16 =	vmul.f32 v26, v26  }
0xd3: {  	v20 =	vperm.xlane v14, v0  }
0xd4: {  	v25 =	vperm.xlane v15, v0;
	v13 =	vsub.f32 v13, v16  }
0xd5: {  	v14 =	vadd.f32 v14, v20  }
0xd6: {  	v20 =	vadd.f32 v25, v15;
	v13 =	vmax.f32 v13, $0.0e+00  }
0xd7: {  	s29 =	simm.s32 $0x100;
	v15 =	vperm.xlane v14, v1;
	v25 =	vadd.f32 $9.999999740e-06, v13  }
0xd8: {  	v16 =	vld [tilespmem:s29+$0xA400];
	v27 =	vperm.xlane v20, v1  }
0xd9: {  	v13 =	vld [tilespmem:s29+$0xA410];
	v28 =	vadd.f32 v14, v15;
	v14 =	vshra.s32 v25, $0x1;
	v25 =	vmul.f32 $-5.000000000e-01, v25  }
0xda: {  	v20 =	vadd.f32 v27, v20;
	v27 =	vsub.s32 $0x5F3759DF, v14  }
0xdb: {  	v15 =	vld [tilespmem:s29+$0xA420];
	v29 =	vperm.xlane v28, v2;
	v25 =	vmul.f32 v27, v25  }
0xdc: {  	v30 =	vsub.f32 v17, v26;
	v31 =	vsub.f32 v18, v26;
	v14 =	vld [tilespmem:s29+$0xA430];
	v17 =	vperm.xlane v20, v2  }
0xdd: {  	v21 =	vsub.f32 v21, v26;
	v28 =	vadd.f32 v28, v29;
	v25 =	vmul.f32 v27, v25  }
0xde: {  	v29 =	vmul.f32 v16, v16;
	v32 =	vmul.f32 v13, v13;
	v17 =	vadd.f32 v17, v20  }
0xdf: {  	v18 =	vadd.f32 v13, v16;
	v33 =	vperm.xlane v28, v3;
	v25 =	vadd.f32 $1.500000000e+00, v25  }
0xe0: {  	v20 =	vmul.f32 v15, v15;
	v36 =	vperm.xlane v17, v3;
	v29 =	vadd.f32 v32, v29  }
0xe1: {  	v35 =	vmul.f32 v14, v14;
	v28 =	vadd.f32 v28, v33;
	v25 =	vmul.f32 v27, v25  }
0xe2: {  	v34 =	vadd.f32 v14, v15;
	v17 =	vadd.f32 v36, v17  }
0xe3: {  	v27 =	vadd.f32 v35, v20;
	v20 =	vmul.f32 $1.562500000e-02, v28;
	v28 =	vmul.f32 v25, v7  }
0xe4: {  	v26 =	vsub.f32 v19, v26;
	v18 =	vadd.f32 v34, v18;
	v19 =	vmul.f32 $1.562500000e-02, v17  }
0xe5: {  	v27 =	vadd.f32 v27, v29;
	v29 =	vmul.f32 v20, v20;
	v21 =	vmul.f32 v28, v21  }
0xe6: {  	v60 =	vperm.xlane v18, v0;
	v17 =	vsub.f32 v22, v20;
	v28 =	vmul.f32 v25, v4  }
0xe7: {  	v22 =	vperm.xlane v27, v0;
	v19 =	vsub.f32 v19, v29;
	v21 =	vadd.f32 v21, v11  }
0xe8: {  	v32 =	vadd.f32 v18, v60;
	v18 =	vsub.f32 v23, v20;
	v29 =	vmul.f32 v25, v5  }
0xe9: {  	s30 =	simm.s32 $0x180;
	v25 =	vmul.f32 v25, v6;
	v22 =	vadd.f32 v22, v27;
	v19 =	vmax.f32 v19, $0.0e+00;
	[tilespmem:s26+$0x12430] =	vst v21  }
0xea: {  	v27 =	vperm.xlane v32, v1;
	v62 =	vmul.f32 v28, v30;
	v61 =	vadd.f32 $9.999999740e-06, v19;
	v23 =	vld [tilespmem:s30+$0xA400]  }
0xeb: {  	v63 =	vmul.f32 v29, v31;
	v19 =	vsub.f32 v24, v20;
	v24 =	vperm.xlane v22, v1;
	v21 =	vld [tilespmem:s30+$0xA410]  }
0xec: {  	v29 =	vadd.f32 v32, v27;
	v27 =	vshra.s32 v61, $0x1;
	v31 =	vmul.f32 $-5.000000000e-01, v61  }
0xed: {  	v25 =	vmul.f32 v25, v26;
	v30 =	vadd.f32 v24, v22;
	v22 =	vld [tilespmem:s30+$0xA420];
	v28 =	vsub.s32 $0x5F3759DF, v27  }
0xee: {  	v26 =	vadd.f32 v62, v8;
	v32 =	vperm.xlane v29, v2;
	v24 =	vld [tilespmem:s30+$0xA430];
	v31 =	vmul.f32 v28, v31  }
0xef: {  	s31 =	simm.s32 $0x800;
	v25 =	vadd.f32 v25, v10;
	v27 =	vadd.f32 v63, v9;
	v33 =	vperm.xlane v30, v2  }
.LBB2_9:
0xf0: {  	p0 =	sne.s32 s31, $0xFE00;
	v34 =	vadd.f32 v21, v23;
	v29 =	vadd.f32 v29, v32;
	v31 =	vmul.f32 v28, v31;
	[tilespmem:s26+$0x12400] =	vst v26  }
0xf1: {  	v26 =	vmul.f32 v23, v23;
	v32 =	vmul.f32 v21, v21;
	v30 =	vadd.f32 v33, v30;
	[tilespmem:s26+$0x12410] =	vst v27  }
0xf2: {  	v27 =	vmul.f32 v22, v22;
	v33 =	vperm.xlane v29, v3;
	v31 =	vadd.f32 $1.500000000e+00, v31;
	[tilespmem:s26+$0x12420] =	vst v25;
	s26 =	smov.u32 s28;
	s28 =	smov.u32 s29;
	s29 =	smov.u32 s30  }
0xf3: {  	v25 =	vadd.f32 v24, v22;
	v35 =	vmul.f32 v24, v24;
	v36 =	vperm.xlane v30, v3  }
0xf4: {  	v26 =	vadd.f32 v32, v26;
	v29 =	vadd.f32 v29, v33;
	v28 =	vmul.f32 v28, v31  }
0xf5: {  	v27 =	vadd.f32 v35, v27;
	v30 =	vadd.f32 v36, v30  }
0xf6: {  	v31 =	vsub.f32 v12, v20;
	v12 =	vmovc v14;
	v14 =	vmovc v24;
	v20 =	vmul.f32 $1.562500000e-02, v29;
	v29 =	vmul.f32 v28, v7  }
0xf7: {  	v24 =	vadd.f32 v25, v34;
	v25 =	vmul.f32 $1.562500000e-02, v30;
	v30 =	vmul.f32 v28, v4  }
0xf8: {  	v26 =	vadd.f32 v27, v26;
	v27 =	vmul.f32 v20, v20;
	v29 =	vmul.f32 v29, v31  }
0xf9: {  	v33 =	vmul.f32 v28, v5;
	v31 =	vperm.xlane v24, v0;
	v32 =	vsub.f32 v16, v20;
	v16 =	vmovc v23  }
0xfa: {  	v23 =	vperm.xlane v26, v0;
	v25 =	vsub.f32 v25, v27;
	v27 =	vadd.f32 v29, v11  }
0xfb: {  	v24 =	vadd.f32 v24, v31;
	v29 =	vsub.f32 v13, v20;
	v31 =	vmul.f32 v28, v6;
	v13 =	vmovc v21  }
0xfc: {  	s30 =	sshra.s32 s31, $0x2;
	v26 =	vadd.f32 v23, v26;
	v21 =	vmax.f32 v25, $0.0e+00;
	v25 =	vsub.f32 v15, v20;
	[tilespmem:s26+$0x12430] =	vst v27;
	v15 =	vmovc v22  }
0xfd: {  	v34 =	vmul.f32 v30, v17;
	v17 =	vmovc v32;
	v22 =	vperm.xlane v24, v1;
	v23 =	vld [tilespmem:s30+$0xA400];
	v27 =	vadd.f32 $9.999999740e-06, v21  }
.Ltmp6:
0xfe: {  	v35 =	vmul.f32 v33, v18;
	v18 =	vmov v29;
	v28 =	vperm.xlane v26, v1;
	v21 =	vld [tilespmem:s30+$0xA410];
	(pc) =	sbr.rel @p0 .LBB2_9-.Ltmp6, $4  }
0xff: {  	v29 =	vadd.f32 v24, v22;
	v24 =	vshra.s32 v27, $0x1;
	v27 =	vmul.f32 $-5.000000000e-01, v27  }
0x100: {  	v36 =	vmul.f32 v31, v19;
	v19 =	vmovc v25;
	v30 =	vadd.f32 v28, v26;
	v22 =	vld [tilespmem:s30+$0xA420];
	v28 =	vsub.s32 $0x5F3759DF, v24  }
0x101: {  	v26 =	vadd.f32 v34, v8;
	v32 =	vperm.xlane v29, v2;
	v24 =	vld [tilespmem:s30+$0xA430];
	v31 =	vmul.f32 v28, v27  }
0x102: {  	s31 =	sadd.s32 $0x200, s31;
	v25 =	vadd.f32 v36, v10;
	v33 =	vperm.xlane v30, v2;
	v27 =	vadd.f32 v35, v9  }
0x103: {  	_ =	sdelay $0x1  }
0x104: {  	v34 =	vadd.f32 v21, v23;
	v35 =	vmul.f32 v23, v23;
	v36 =	vmul.f32 v21, v21  }
0x105: {  	v37 =	vmul.f32 v22, v22;
	v38 =	vadd.f32 v24, v22;
	v39 =	vmul.f32 v24, v24  }
0x106: {  	v35 =	vadd.f32 v36, v35  }
0x107: {  	v46 =	vadd.f32 v39, v37;
	v34 =	vadd.f32 v38, v34;
	_ =	sdelay $0x1  }
0x108: {  	v35 =	vadd.f32 v46, v35;
	v47 =	vperm.xlane v34, v0;
	_ =	sdelay $0x1  }
0x109: {  	v34 =	vadd.f32 v34, v47;
	v48 =	vperm.xlane v35, v0;
	_ =	sdelay $0x1  }
0x10a: {  	v49 =	vadd.f32 v48, v35;
	v50 =	vperm.xlane v34, v1;
	_ =	sdelay $0x1  }
0x10b: {  	v29 =	vadd.f32 v29, v32;
	v36 =	vperm.xlane v49, v1;
	v34 =	vadd.f32 v34, v50  }
0x10c: {  	v30 =	vadd.f32 v33, v30  }
0x10d: {  	v51 =	vperm.xlane v29, v3;
	v32 =	vadd.f32 v36, v49;
	v53 =	vperm.xlane v34, v2  }
0x10e: {  	v52 =	vperm.xlane v30, v3  }
0x10f: {  	v29 =	vadd.f32 v29, v51;
	v54 =	vperm.xlane v32, v2;
	v33 =	vadd.f32 v34, v53  }
0x110: {  	v30 =	vadd.f32 v52, v30  }
0x111: {  	v29 =	vmul.f32 $1.562500000e-02, v29;
	v32 =	vadd.f32 v54, v32;
	v56 =	vperm.xlane v33, v3  }
0x112: {  	v31 =	vmul.f32 v28, v31;
	v30 =	vmul.f32 $1.562500000e-02, v30  }
0x113: {  	v55 =	vmul.f32 v29, v29;
	v57 =	vperm.xlane v32, v3;
	v33 =	vadd.f32 v33, v56  }
0x114: {  	v31 =	vadd.f32 $1.500000000e+00, v31  }
0x115: {  	v30 =	vsub.f32 v30, v55;
	v32 =	vadd.f32 v57, v32;
	v33 =	vmul.f32 $1.562500000e-02, v33  }
0x116: {  	v58 =	vmul.f32 v28, v31  }
0x117: {  	v30 =	vmax.f32 v30, $0.0e+00;
	v59 =	vmul.f32 $1.562500000e-02, v32;
	v60 =	vmul.f32 v33, v33  }
0x118: {  	v30 =	vadd.f32 $9.999999740e-06, v30  }
0x119: {  	v12 =	vsub.f32 v12, v20;
	v62 =	vmul.f32 v58, v7;
	v31 =	vsub.f32 v59, v60  }
0x11a: {  	v63 =	vmul.f32 v58, v4;
	v61 =	vshra.s32 v30, $0x1;
	v30 =	vmul.f32 $-5.000000000e-01, v30  }
0x11b: {  	v28 =	vmul.f32 v58, v6;
	v20 =	vsub.s32 $0x5F3759DF, v61;
	v31 =	vmax.f32 v31, $0.0e+00  }
0x11c: {  	v12 =	vmul.f32 v62, v12;
	v30 =	vmul.f32 v20, v30;
	v31 =	vadd.f32 $9.999999740e-06, v31  }
0x11d: {  	v16 =	vsub.f32 v16, v29;
	v17 =	vmul.f32 v63, v17;
	v13 =	vsub.f32 v13, v29  }
0x11e: {  	v30 =	vmul.f32 v20, v30;
	v37 =	vshra.s32 v31, $0x1;
	v31 =	vmul.f32 $-5.000000000e-01, v31  }
0x11f: {  	v15 =	vsub.f32 v15, v29;
	v36 =	vmul.f32 v58, v5;
	v38 =	vsub.s32 $0x5F3759DF, v37  }
0x120: {  	v19 =	vmul.f32 v28, v19;
	v30 =	vadd.f32 $1.500000000e+00, v30;
	v39 =	vmul.f32 v38, v31  }
0x121: {  	v14 =	vsub.f32 v14, v29;
	v12 =	vadd.f32 v12, v11;
	v18 =	vmul.f32 v36, v18  }
0x122: {  	v17 =	vadd.f32 v17, v8;
	v20 =	vmul.f32 v20, v30;
	v41 =	vmul.f32 v38, v39  }
0x123: {  	[tilespmem:s26+$0x12400] =	vst v26;
	v19 =	vadd.f32 v19, v10;
	v18 =	vadd.f32 v18, v9  }
0x124: {  	[tilespmem:s26+$0x12410] =	vst v27;
	v40 =	vmul.f32 v20, v7;
	v43 =	vmul.f32 v20, v4;
	v42 =	vadd.f32 $1.500000000e+00, v41  }
0x125: {  	[tilespmem:s26+$0x12420] =	vst v25;
	v44 =	vsub.f32 v23, v33;
	v45 =	vmul.f32 v20, v5;
	v49 =	vmul.f32 v20, v6  }
0x126: {  	[tilespmem:s28+$0x12430] =	vst v12;
	v47 =	vsub.f32 v21, v33;
	v14 =	vmul.f32 v40, v14;
	v48 =	vmul.f32 v38, v42  }
0x127: {  	[tilespmem:s28+$0x12400] =	vst v17;
	v50 =	vsub.f32 v22, v33;
	v51 =	vsub.f32 v24, v33;
	v16 =	vmul.f32 v43, v16  }
0x128: {  	[tilespmem:s28+$0x12420] =	vst v19;
	v13 =	vmul.f32 v45, v13;
	v46 =	vadd.f32 v14, v11;
	v52 =	vmul.f32 v48, v7  }
0x129: {  	[tilespmem:s28+$0x12410] =	vst v18;
	v15 =	vmul.f32 v49, v15;
	v16 =	vadd.f32 v16, v8;
	v53 =	vmul.f32 v48, v4  }
0x12a: {  	v54 =	vadd.f32 v13, v9;
	[tilespmem:s29+$0x12430] =	vst v46;
	v56 =	vmul.f32 v48, v5;
	v55 =	vmul.f32 v52, v51  }
0x12b: {  	v15 =	vadd.f32 v15, v10;
	[tilespmem:s29+$0x12400] =	vst v16;
	v57 =	vmul.f32 v48, v6;
	v17 =	vmul.f32 v53, v44  }
0x12c: {  	[tilespmem:s29+$0x12410] =	vst v54;
	v59 =	vmul.f32 v56, v47;
	v58 =	vadd.f32 v55, v11  }
0x12d: {  	p0 =	seq.s32 s24, $0x63;
	[tilespmem:s29+$0x12420] =	vst v15;
	v60 =	vmul.f32 v57, v50;
	v61 =	vadd.f32 v17, v8  }
.Ltmp7:
0x12e: {  	v62 =	vadd.f32 v59, v9;
	[tilespmem:s30+$0x12430] =	vst v58;
	(pc) =	sbr.rel @p0 .LBB2_12-.Ltmp7, $4  }
0x12f: {  	v63 =	vadd.f32 v60, v10;
	[tilespmem:s30+$0x12400] =	vst v61  }
0x130: {  	s31 =	sshll.u32 s24, $0xC;
	[tilespmem:s30+$0x12410] =	vst v62  }
0x131: {  	s26 =	sadd.s32 s10, s31;
	[tilespmem:s30+$0x12420] =	vst v63  }
0x132: {  	[hbm4b:s26+s5] =	stream.linear.scatter [tilespmem:s21], [sflag:$0x4], $0x4000, $0x38;
	[tilespmem:$0x16500] =	vst v63  }
.Ltmp8:
0x133: {  	(pc) =	sbr.rel .LBB2_2-.Ltmp8, $4  }
0x134: {  	_ = 	snop  }
0x135: {  	s25 =	sshrl.u32 s25, $0x2  }
0x136: {  	s24 =	sadd.s32 $0x1, s24;
	s25 =	sadd.s32 $0x180, s25  }
0x137: {  	[tilespmem:s16], [sflag:$0x2] =	stream.indirect.gather [hbm4b:s0+s14], $0x80, s25, s14, $0xb8;
	[tilespmem:$0x16500] =	vst v63  }
.LBB2_13:
0x138: {  	_ =	sfence.sel $0x180000  }
0x139: {  	[bflag:$0x0] =	sbarrier.arrive $0xFFFF  }
0x13a: {  	p0 =	sne.s32 s1, $0x0;
	_ =	strace $0x90000047  }
0x13b: {  	s0 =	sadd.s32 @!p0 $0x100000, s4;
	[bflag:$0x2] =	sbarrier.arrive $0xFFFF  }
0x13c: {  	[sflag:s0] =	ssyncadd.tile.s32 @!p0 $0x1;
	_ =	shalt  }
.Lfunc_end2:
_tile_overlayer_lowered:
.L_overlay_start_2:
0x13d: {  	(tag) =	ssettag $0x2  }
0x13e: {  	s0 =	rddreg [dreg:$0x0];
	s2 =	stileid.u32  }
0x13f: {  	s1 =	rddreg [dreg:$0x1];
	p0 =	sne.s32 s2, $0x0  }
0x140: {  	s3 =	rddreg [dreg:$0x2];
	[bflag:$0x3] =	sbarrier.arrive $0xFFFF;
	s2 =	simm.s32 @!p0 $0x1C05  }
0x141: {  	[timem:s3], [sflag:s2] =	dma.local @!p0 [hbm:s0], s1  }
0x142: {  	s0 =	simm.s32 @!p0 $0x5  }
0x143: {  	_ =	swait.ge @!p0 [sflag:s0], s1  }
0x144: {  	s1 =	ssub.s32 @!p0 $0x0, s1;
	[sflag:s0] =	ssyncset.done @!p0 $0x0  }
0x145: {  	[sflag:s0] =	ssyncadd.s32 @!p0 s1  }
0x146: {  	[bflag:$0x3] =	sbarrier.arrive $0xFFFF  }
0x147: {  	_ =	shalt  }

</sc_bundles>
